<compile_context>
chip_gen: v7x
topology: tpu7x:2x2x1
jax: 0.10.2.dev20260603
libtpu: 0.0.44.dev20260713+nightly
codegen_flags: <defaults>
</compile_context>

<pallas_src>
import jax
import jax.numpy as jnp
from jax import lax
from jax.experimental import pallas as pl
from jax.experimental.pallas import tpu as pltpu

_IMG = 640.0
_MAX_DET = 128
_N = 16800
_ROWS = 132


def _topk_body(s8_ref, s16_ref, s32_ref, sig_ref, idx_ref, ndet_ref, S):
    B = 16
    S[:, 0:100, :] = s8_ref[...]
    S[:, 100:125, :] = s16_ref[...]
    S[:, 125:132, :] = s32_ref[...]
    cio = lax.broadcasted_iota(jnp.int32, (B, _ROWS), 1)
    li = lax.broadcasted_iota(jnp.int32, (B, 128), 1)
    M0 = jnp.max(S[...], axis=2)

    def step(j, carry):
        M, sv, iv = carry
        gm = jnp.max(M, axis=1, keepdims=True)
        rvec = jnp.min(jnp.where(M == gm, cio, jnp.int32(100000)),
                       axis=1, keepdims=True)
        rbs = [rvec[b, 0] for b in range(B)]
        R = jnp.concatenate(
            [S[b, pl.ds(rbs[b], 1), :] for b in range(B)], axis=0)
        cvec = jnp.min(jnp.where(R == gm, li, jnp.int32(100000)),
                       axis=1, keepdims=True)
        sv = jnp.where(li == j, gm, sv)
        iv = jnp.where(li == j, rvec * 128 + cvec, iv)
        R2 = jnp.where(li == cvec, -jnp.inf, R)
        for b in range(B):
            S[b, pl.ds(rbs[b], 1), :] = R2[b:b + 1, :]
        nm = jnp.max(R2, axis=1, keepdims=True)
        M = jnp.where(cio == rvec, nm, M)
        return M, sv, iv

    _, sv, iv = lax.fori_loop(
        0, _MAX_DET, step,
        (M0, jnp.full((B, 128), -jnp.inf, jnp.float32),
         jnp.zeros((B, 128), jnp.int32)))
    sig = 1.0 / (1.0 + jnp.exp(-sv))
    sig_ref[...] = sig
    idx_ref[...] = iv
    ndet_ref[...] = jnp.sum(jnp.where(sig > 0.5, 1, 0), axis=1,
                            keepdims=True).astype(jnp.int32)


def kernel(scores_8, boxes_8, landmarks_8, scores_16, boxes_16, landmarks_16,
           scores_32, boxes_32, landmarks_32, anchor_centers, anchor_strides):
    B = scores_8.shape[0]
    del anchor_centers, anchor_strides
    s8 = scores_8.reshape(B, 100, 128)
    s16 = scores_16.reshape(B, 25, 128)
    s32 = jnp.pad(scores_32.reshape(B, 800), ((0, 0), (0, 96)),
                  constant_values=-jnp.inf).reshape(B, 7, 128)

    sig, idx, ndet = pl.pallas_call(
        _topk_body,
        out_shape=[
            jax.ShapeDtypeStruct((B, 128), jnp.float32),
            jax.ShapeDtypeStruct((B, 128), jnp.int32),
            jax.ShapeDtypeStruct((B, 1), jnp.int32),
        ],
        scratch_shapes=[pltpu.VMEM((B, _ROWS, 128), jnp.float32)],
    )(s8, s16, s32)

    bx_all = jnp.concatenate([boxes_8, boxes_16, boxes_32], axis=1)
    lm_all = jnp.concatenate([landmarks_8, landmarks_16, landmarks_32],
                             axis=1)
    bx = jnp.take_along_axis(bx_all, idx[..., None], axis=1)
    lm = jnp.take_along_axis(lm_all, idx[..., None], axis=1)

    in16 = idx >= 12800
    in32 = idx >= 16000
    a = jnp.where(in32, idx - 16000, jnp.where(in16, idx - 12800, idx)) >> 1
    f = jnp.where(in32, 20, jnp.where(in16, 40, 80))
    strd = jnp.where(in32, 32.0, jnp.where(in16, 16.0, 8.0))
    y = a // f
    x = a - y * f
    cx = (x.astype(jnp.float32) + 0.5) * strd
    cy = (y.astype(jnp.float32) + 0.5) * strd
    ctr = jnp.stack([cx, cy], axis=-1)
    st = strd[..., None]

    x1 = ctr[..., 0:1] - bx[..., 0:1] * st
    y1 = ctr[..., 1:2] - bx[..., 1:2] * st
    x2 = ctr[..., 0:1] + bx[..., 2:3] * st
    y2 = ctr[..., 1:2] + bx[..., 3:4] * st
    det_boxes = jnp.concatenate([x1, y1, x2, y2], axis=-1) / _IMG
    lmk = lm.reshape(B, 128, 5, 2)
    det_landmarks = (lmk * st[..., None] + ctr[:, :, None, :]).reshape(
        B, 128, 10) / _IMG
    return (ndet, det_boxes, sig, det_landmarks)

# --- scband reference (transcript-rebuilt; emitter-appended) ---
"""Pipeline reference for scband-scrfd-onnx-wrapper-65678639890614 (READ-ONLY COPY).

The authoritative reference and input builder live on the scoring server;
editing this copy changes nothing except your own understanding.
"""

import jax, jax.numpy as jnp
import numpy as np

IMG_SIZE = 640
MAX_DET = 128
CONF_THRES = 0.5
STRIDES = [8, 16, 32]


def make_anchors(img_size=IMG_SIZE):
    centers = []
    strides = []
    for s in STRIDES:
        f = img_size // s
        y, x = jnp.meshgrid(jnp.arange(f, dtype=jnp.float32), jnp.arange(f, dtype=jnp.float32), indexing='ij')
        ac = jnp.stack([x, y], axis=-1).reshape(-1, 2)
        ac = (ac + 0.5) * s
        ac = jnp.repeat(ac, 2, axis=0)
        centers.append(ac)
        strides.append(jnp.full((f * f * 2,), float(s), dtype=jnp.float32))
    return jnp.concatenate(centers, axis=0), jnp.concatenate(strides, axis=0)


def setup_inputs(seed: int = 0) -> dict:
    key = jax.random.key(seed)
    ks = jax.random.split(key, 9)
    B = 16
    inp = {
        'scores_8': jax.random.normal(ks[0], (B, 12800, 1), dtype=jnp.float32),
        'boxes_8': jax.random.normal(ks[1], (B, 12800, 4), dtype=jnp.float32),
        'landmarks_8': jax.random.normal(ks[2], (B, 12800, 10), dtype=jnp.float32),
        'scores_16': jax.random.normal(ks[3], (B, 3200, 1), dtype=jnp.float32),
        'boxes_16': jax.random.normal(ks[4], (B, 3200, 4), dtype=jnp.float32),
        'landmarks_16': jax.random.normal(ks[5], (B, 3200, 10), dtype=jnp.float32),
        'scores_32': jax.random.normal(ks[6], (B, 800, 1), dtype=jnp.float32),
        'boxes_32': jax.random.normal(ks[7], (B, 800, 4), dtype=jnp.float32),
        'landmarks_32': jax.random.normal(ks[8], (B, 800, 10), dtype=jnp.float32),
    }
    ac, ast = make_anchors()
    inp['anchor_centers'] = ac
    inp['anchor_strides'] = ast
    return inp


def reference(scores_8, boxes_8, landmarks_8, scores_16, boxes_16, landmarks_16,
              scores_32, boxes_32, landmarks_32, anchor_centers, anchor_strides):
    B = scores_8.shape[0]
    scores = jnp.concatenate([scores_8.reshape(B, -1, 1), scores_16.reshape(B, -1, 1), scores_32.reshape(B, -1, 1)], axis=1)
    boxes = jnp.concatenate([boxes_8.reshape(B, -1, 4), boxes_16.reshape(B, -1, 4), boxes_32.reshape(B, -1, 4)], axis=1)
    landmarks = jnp.concatenate([landmarks_8.reshape(B, -1, 10), landmarks_16.reshape(B, -1, 10), landmarks_32.reshape(B, -1, 10)], axis=1)
    N = scores.shape[1]
    centers = jnp.broadcast_to(anchor_centers[None, :, :], (B, N, 2))
    strides = jnp.broadcast_to(anchor_strides[None, :, None], (B, N, 1))
    x1 = centers[:, :, 0:1] - boxes[:, :, 0:1] * strides
    y1 = centers[:, :, 1:2] - boxes[:, :, 1:2] * strides
    x2 = centers[:, :, 0:1] + boxes[:, :, 2:3] * strides
    y2 = centers[:, :, 1:2] + boxes[:, :, 3:4] * strides
    decoded_boxes = jnp.concatenate([x1, y1, x2, y2], axis=-1) / IMG_SIZE
    lmk = landmarks.reshape(B, -1, 5, 2)
    decoded_lmk = lmk * strides[:, :, :, None] + centers[:, :, None, :]
    decoded_landmarks = decoded_lmk.reshape(B, -1, 10) / IMG_SIZE
    boxes_with_landmarks = jnp.concatenate([decoded_boxes, decoded_landmarks], axis=-1)
    scores_sigmoid = jax.nn.sigmoid(scores)
    # EfficientNMS (class-agnostic): score-ordered top-k selection of candidates
    box_scores = jnp.max(scores_sigmoid, axis=-1)  # [B, N]
    top_scores, top_idx = jax.lax.top_k(box_scores, MAX_DET)  # [B, MAX_DET]
    det = jnp.take_along_axis(boxes_with_landmarks, top_idx[:, :, None], axis=1)  # [B, MAX_DET, 14]
    num_dets = jnp.sum((top_scores > CONF_THRES).astype(jnp.int32), axis=1, keepdims=True)
    det_boxes = det[:, :, :4]
    det_landmarks = det[:, :, 4:]
    det_scores = top_scores
    return (num_dets, det_boxes, det_scores, det_landmarks)

if __name__ == "__main__":
    import jax
    _d = setup_inputs()
    print(jax.jit(kernel)(*tuple(_d.values())))

</pallas_src>

<mosaic_0001>
module attributes {stable_mosaic.version = 14 : i64} {
  func.func @_topk_body(%arg0: memref<16x100x128xf32, #tpu.memory_space<vmem>>, %arg1: memref<16x25x128xf32, #tpu.memory_space<vmem>>, %arg2: memref<16x7x128xf32, #tpu.memory_space<vmem>>, %arg3: memref<16x128xf32, #tpu.memory_space<vmem>>, %arg4: memref<16x128xi32, #tpu.memory_space<vmem>>, %arg5: memref<16x1xi32, #tpu.memory_space<vmem>>, %arg6: memref<16x132x128xf32, #tpu.memory_space<vmem>>) attributes {dimension_semantics = [], scalar_prefetch = 0 : i64, scratch_operands = 1 : i64, tpu.core_type = #tpu.core_type<tc>} {
    %get3A = arith.constant 0 : index
    %get3A_0 = arith.constant 0 : index
    %get3A_1 = arith.constant 0 : index
    %get3A_2 = vector.load %arg0[%get3A, %get3A_0, %get3A_1] : memref<16x100x128xf32, #tpu.memory_space<vmem>>, vector<16x100x128xf32>
    %swap3A = arith.constant 0 : index
    %swap3A_3 = arith.constant 0 : index
    %swap3A_4 = arith.constant 0 : index
    %swap3A_5 = vector.load %arg6[%swap3A, %swap3A_3, %swap3A_4] : memref<16x132x128xf32, #tpu.memory_space<vmem>>, vector<16x100x128xf32>
    tpu.vector_store %arg6[%swap3A, %swap3A_3, %swap3A_4], %get3A_2 {strides = array<i32>} : memref<16x132x128xf32, #tpu.memory_space<vmem>>, vector<16x100x128xf32>,
    %get3A_6 = arith.constant 0 : index
    %get3A_7 = arith.constant 0 : index
    %get3A_8 = arith.constant 0 : index
    %get3A_9 = vector.load %arg1[%get3A_6, %get3A_7, %get3A_8] : memref<16x25x128xf32, #tpu.memory_space<vmem>>, vector<16x25x128xf32>
    %swap3A_10 = arith.constant 0 : index
    %swap3A_11 = arith.constant 100 : index
    %swap3A_12 = arith.constant 0 : index
    %swap3A_13 = vector.load %arg6[%swap3A_10, %swap3A_11, %swap3A_12] : memref<16x132x128xf32, #tpu.memory_space<vmem>>, vector<16x25x128xf32>
    tpu.vector_store %arg6[%swap3A_10, %swap3A_11, %swap3A_12], %get3A_9 {strides = array<i32>} : memref<16x132x128xf32, #tpu.memory_space<vmem>>, vector<16x25x128xf32>,
    %get3A_14 = arith.constant 0 : index
    %get3A_15 = arith.constant 0 : index
    %get3A_16 = arith.constant 0 : index
    %get3A_17 = vector.load %arg2[%get3A_14, %get3A_15, %get3A_16] : memref<16x7x128xf32, #tpu.memory_space<vmem>>, vector<16x7x128xf32>
    %swap3A_18 = arith.constant 0 : index
    %swap3A_19 = arith.constant 125 : index
    %swap3A_20 = arith.constant 0 : index
    %swap3A_21 = vector.load %arg6[%swap3A_18, %swap3A_19, %swap3A_20] : memref<16x132x128xf32, #tpu.memory_space<vmem>>, vector<16x7x128xf32>
    tpu.vector_store %arg6[%swap3A_18, %swap3A_19, %swap3A_20], %get3A_17 {strides = array<i32>} : memref<16x132x128xf32, #tpu.memory_space<vmem>>, vector<16x7x128xf32>,
    %iota3A = tpu.iota {dimensions = array<i32: 1>} : vector<16x132xi32>
    %iota3A_22 = tpu.iota {dimensions = array<i32: 1>} : vector<16x128xi32>
    %get3A_23 = arith.constant 0 : index
    %get3A_24 = arith.constant 0 : index
    %get3A_25 = arith.constant 0 : index
    %get3A_26 = vector.load %arg6[%get3A_23, %get3A_24, %get3A_25] : memref<16x132x128xf32, #tpu.memory_space<vmem>>, vector<16x132x128xf32>
    %reduce_max3A = arith.constant dense<0xFF800000> : vector<16x132xf32>
    %reduce_max3A_27 = vector.multi_reduction <maximumf>, %get3A_26, %reduce_max3A [2] : vector<16x132x128xf32> to vector<16x132xf32>
    %broadcast_in_dim3A = arith.constant 0xFF800000 : f32
    %broadcast_in_dim3A_28 = vector.broadcast %broadcast_in_dim3A : f32 to vector<16x128xf32>
    %broadcast_in_dim3A_29 = arith.constant 0 : i32
    %broadcast_in_dim3A_30 = vector.broadcast %broadcast_in_dim3A_29 : i32 to vector<16x128xi32>
    %scan3A = arith.constant 0 : i32
    %scan3A_31 = arith.constant 128 : i32
    %scan3A_32 = arith.addi %scan3A, %scan3A_31 : i32
    %scan3A_33 = arith.constant 1 : i32
    %scan3A_34:3 = scf.for %scan3A_58 = %scan3A to %scan3A_32 step %scan3A_33 iter_args(%scan3A_59 = %reduce_max3A_27, %scan3A_60 = %broadcast_in_dim3A_28, %scan3A_61 = %broadcast_in_dim3A_30) -> (vector<16x132xf32>, vector<16x128xf32>, vector<16x128xi32>)  : i32 {
      %reduce_max3A_62 = arith.constant dense<0xFF800000> : vector<16xf32>
      %reduce_max3A_63 = vector.multi_reduction <maximumf>, %scan3A_59, %reduce_max3A_62 [1] : vector<16x132xf32> to vector<16xf32>
      %broadcast_in_dim3A_64 = vector.shape_cast %reduce_max3A_63 : vector<16xf32> to vector<16x1xf32>
      %eq3A = vector.broadcast %broadcast_in_dim3A_64 : vector<16x1xf32> to vector<16x132xf32>
      %eq3A_65 = arith.cmpf oeq, %scan3A_59, %eq3A : vector<16x132xf32>
      %jit3A_66 = arith.constant 100000 : i32
      %broadcast_in_dim3A_67 = vector.broadcast %jit3A_66 : i32 to vector<16x132xi32>
      %select_n3A_68 = arith.select %eq3A_65, %iota3A, %broadcast_in_dim3A_67 : vector<16x132xi1>, vector<16x132xi32>
      %reduce_min3A = arith.constant dense<2147483647> : vector<16xi32>
      %reduce_min3A_69 = vector.multi_reduction <minsi>, %select_n3A_68, %reduce_min3A [1] : vector<16x132xi32> to vector<16xi32>
      %broadcast_in_dim3A_70 = vector.shape_cast %reduce_min3A_69 : vector<16xi32> to vector<16x1xi32>
      %slice3A = vector.extract_strided_slice %broadcast_in_dim3A_70 {offsets = [0, 0], sizes = [1, 1], strides = [1, 1]} : vector<16x1xi32> to vector<1x1xi32>
      %squeeze3A = vector.extract %slice3A[0, 0] : i32 from vector<1x1xi32>
      %slice3A_71 = vector.extract_strided_slice %broadcast_in_dim3A_70 {offsets = [1, 0], sizes = [1, 1], strides = [1, 1]} : vector<16x1xi32> to vector<1x1xi32>
      %squeeze3A_72 = vector.extract %slice3A_71[0, 0] : i32 from vector<1x1xi32>
      %slice3A_73 = vector.extract_strided_slice %broadcast_in_dim3A_70 {offsets = [2, 0], sizes = [1, 1], strides = [1, 1]} : vector<16x1xi32> to vector<1x1xi32>
      %squeeze3A_74 = vector.extract %slice3A_73[0, 0] : i32 from vector<1x1xi32>
      %slice3A_75 = vector.extract_strided_slice %broadcast_in_dim3A_70 {offsets = [3, 0], sizes = [1, 1], strides = [1, 1]} : vector<16x1xi32> to vector<1x1xi32>
      %squeeze3A_76 = vector.extract %slice3A_75[0, 0] : i32 from vector<1x1xi32>
      %slice3A_77 = vector.extract_strided_slice %broadcast_in_dim3A_70 {offsets = [4, 0], sizes = [1, 1], strides = [1, 1]} : vector<16x1xi32> to vector<1x1xi32>
      %squeeze3A_78 = vector.extract %slice3A_77[0, 0] : i32 from vector<1x1xi32>
      %slice3A_79 = vector.extract_strided_slice %broadcast_in_dim3A_70 {offsets = [5, 0], sizes = [1, 1], strides = [1, 1]} : vector<16x1xi32> to vector<1x1xi32>
      %squeeze3A_80 = vector.extract %slice3A_79[0, 0] : i32 from vector<1x1xi32>
      %slice3A_81 = vector.extract_strided_slice %broadcast_in_dim3A_70 {offsets = [6, 0], sizes = [1, 1], strides = [1, 1]} : vector<16x1xi32> to vector<1x1xi32>
      %squeeze3A_82 = vector.extract %slice3A_81[0, 0] : i32 from vector<1x1xi32>
      %slice3A_83 = vector.extract_strided_slice %broadcast_in_dim3A_70 {offsets = [7, 0], sizes = [1, 1], strides = [1, 1]} : vector<16x1xi32> to vector<1x1xi32>
      %squeeze3A_84 = vector.extract %slice3A_83[0, 0] : i32 from vector<1x1xi32>
      %slice3A_85 = vector.extract_strided_slice %broadcast_in_dim3A_70 {offsets = [8, 0], sizes = [1, 1], strides = [1, 1]} : vector<16x1xi32> to vector<1x1xi32>
      %squeeze3A_86 = vector.extract %slice3A_85[0, 0] : i32 from vector<1x1xi32>
      %slice3A_87 = vector.extract_strided_slice %broadcast_in_dim3A_70 {offsets = [9, 0], sizes = [1, 1], strides = [1, 1]} : vector<16x1xi32> to vector<1x1xi32>
      %squeeze3A_88 = vector.extract %slice3A_87[0, 0] : i32 from vector<1x1xi32>
      %slice3A_89 = vector.extract_strided_slice %broadcast_in_dim3A_70 {offsets = [10, 0], sizes = [1, 1], strides = [1, 1]} : vector<16x1xi32> to vector<1x1xi32>
      %squeeze3A_90 = vector.extract %slice3A_89[0, 0] : i32 from vector<1x1xi32>
      %slice3A_91 = vector.extract_strided_slice %broadcast_in_dim3A_70 {offsets = [11, 0], sizes = [1, 1], strides = [1, 1]} : vector<16x1xi32> to vector<1x1xi32>
      %squeeze3A_92 = vector.extract %slice3A_91[0, 0] : i32 from vector<1x1xi32>
      %slice3A_93 = vector.extract_strided_slice %broadcast_in_dim3A_70 {offsets = [12, 0], sizes = [1, 1], strides = [1, 1]} : vector<16x1xi32> to vector<1x1xi32>
      %squeeze3A_94 = vector.extract %slice3A_93[0, 0] : i32 from vector<1x1xi32>
      %slice3A_95 = vector.extract_strided_slice %broadcast_in_dim3A_70 {offsets = [13, 0], sizes = [1, 1], strides = [1, 1]} : vector<16x1xi32> to vector<1x1xi32>
      %squeeze3A_96 = vector.extract %slice3A_95[0, 0] : i32 from vector<1x1xi32>
      %slice3A_97 = vector.extract_strided_slice %broadcast_in_dim3A_70 {offsets = [14, 0], sizes = [1, 1], strides = [1, 1]} : vector<16x1xi32> to vector<1x1xi32>
      %squeeze3A_98 = vector.extract %slice3A_97[0, 0] : i32 from vector<1x1xi32>
      %slice3A_99 = vector.extract_strided_slice %broadcast_in_dim3A_70 {offsets = [15, 0], sizes = [1, 1], strides = [1, 1]} : vector<16x1xi32> to vector<1x1xi32>
      %squeeze3A_100 = vector.extract %slice3A_99[0, 0] : i32 from vector<1x1xi32>
      %get3A_101 = arith.constant 0 : index
      %get3A_102 = arith.index_cast %squeeze3A : i32 to index
      %get3A_103 = arith.constant 0 : index
      %get3A_104 = vector.load %arg6[%get3A_101, %get3A_102, %get3A_103] : memref<16x132x128xf32, #tpu.memory_space<vmem>>, vector<1x1x128xf32>
      %get3A_105 = vector.shape_cast %get3A_104 : vector<1x1x128xf32> to vector<1x128xf32>
      %get3A_106 = arith.constant 1 : index
      %get3A_107 = arith.index_cast %squeeze3A_72 : i32 to index
      %get3A_108 = arith.constant 0 : index
      %get3A_109 = vector.load %arg6[%get3A_106, %get3A_107, %get3A_108] : memref<16x132x128xf32, #tpu.memory_space<vmem>>, vector<1x1x128xf32>
      %get3A_110 = vector.shape_cast %get3A_109 : vector<1x1x128xf32> to vector<1x128xf32>
      %get3A_111 = arith.constant 2 : index
      %get3A_112 = arith.index_cast %squeeze3A_74 : i32 to index
      %get3A_113 = arith.constant 0 : index
      %get3A_114 = vector.load %arg6[%get3A_111, %get3A_112, %get3A_113] : memref<16x132x128xf32, #tpu.memory_space<vmem>>, vector<1x1x128xf32>
      %get3A_115 = vector.shape_cast %get3A_114 : vector<1x1x128xf32> to vector<1x128xf32>
      %get3A_116 = arith.constant 3 : index
      %get3A_117 = arith.index_cast %squeeze3A_76 : i32 to index
      %get3A_118 = arith.constant 0 : index
      %get3A_119 = vector.load %arg6[%get3A_116, %get3A_117, %get3A_118] : memref<16x132x128xf32, #tpu.memory_space<vmem>>, vector<1x1x128xf32>
      %get3A_120 = vector.shape_cast %get3A_119 : vector<1x1x128xf32> to vector<1x128xf32>
      %get3A_121 = arith.constant 4 : index
      %get3A_122 = arith.index_cast %squeeze3A_78 : i32 to index
      %get3A_123 = arith.constant 0 : index
      %get3A_124 = vector.load %arg6[%get3A_121, %get3A_122, %get3A_123] : memref<16x132x128xf32, #tpu.memory_space<vmem>>, vector<1x1x128xf32>
      %get3A_125 = vector.shape_cast %get3A_124 : vector<1x1x128xf32> to vector<1x128xf32>
      %get3A_126 = arith.constant 5 : index
      %get3A_127 = arith.index_cast %squeeze3A_80 : i32 to index
      %get3A_128 = arith.constant 0 : index
      %get3A_129 = vector.load %arg6[%get3A_126, %get3A_127, %get3A_128] : memref<16x132x128xf32, #tpu.memory_space<vmem>>, vector<1x1x128xf32>
      %get3A_130 = vector.shape_cast %get3A_129 : vector<1x1x128xf32> to vector<1x128xf32>
      %get3A_131 = arith.constant 6 : index
      %get3A_132 = arith.index_cast %squeeze3A_82 : i32 to index
      %get3A_133 = arith.constant 0 : index
      %get3A_134 = vector.load %arg6[%get3A_131, %get3A_132, %get3A_133] : memref<16x132x128xf32, #tpu.memory_space<vmem>>, vector<1x1x128xf32>
      %get3A_135 = vector.shape_cast %get3A_134 : vector<1x1x128xf32> to vector<1x128xf32>
      %get3A_136 = arith.constant 7 : index
      %get3A_137 = arith.index_cast %squeeze3A_84 : i32 to index
      %get3A_138 = arith.constant 0 : index
      %get3A_139 = vector.load %arg6[%get3A_136, %get3A_137, %get3A_138] : memref<16x132x128xf32, #tpu.memory_space<vmem>>, vector<1x1x128xf32>
      %get3A_140 = vector.shape_cast %get3A_139 : vector<1x1x128xf32> to vector<1x128xf32>
      %get3A_141 = arith.constant 8 : index
      %get3A_142 = arith.index_cast %squeeze3A_86 : i32 to index
      %get3A_143 = arith.constant 0 : index
      %get3A_144 = vector.load %arg6[%get3A_141, %get3A_142, %get3A_143] : memref<16x132x128xf32, #tpu.memory_space<vmem>>, vector<1x1x128xf32>
      %get3A_145 = vector.shape_cast %get3A_144 : vector<1x1x128xf32> to vector<1x128xf32>
      %get3A_146 = arith.constant 9 : index
      %get3A_147 = arith.index_cast %squeeze3A_88 : i32 to index
      %get3A_148 = arith.constant 0 : index
      %get3A_149 = vector.load %arg6[%get3A_146, %get3A_147, %get3A_148] : memref<16x132x128xf32, #tpu.memory_space<vmem>>, vector<1x1x128xf32>
      %get3A_150 = vector.shape_cast %get3A_149 : vector<1x1x128xf32> to vector<1x128xf32>
      %get3A_151 = arith.constant 10 : index
      %get3A_152 = arith.index_cast %squeeze3A_90 : i32 to index
      %get3A_153 = arith.constant 0 : index
      %get3A_154 = vector.load %arg6[%get3A_151, %get3A_152, %get3A_153] : memref<16x132x128xf32, #tpu.memory_space<vmem>>, vector<1x1x128xf32>
      %get3A_155 = vector.shape_cast %get3A_154 : vector<1x1x128xf32> to vector<1x128xf32>
      %get3A_156 = arith.constant 11 : index
      %get3A_157 = arith.index_cast %squeeze3A_92 : i32 to index
      %get3A_158 = arith.constant 0 : index
      %get3A_159 = vector.load %arg6[%get3A_156, %get3A_157, %get3A_158] : memref<16x132x128xf32, #tpu.memory_space<vmem>>, vector<1x1x128xf32>
      %get3A_160 = vector.shape_cast %get3A_159 : vector<1x1x128xf32> to vector<1x128xf32>
      %get3A_161 = arith.constant 12 : index
      %get3A_162 = arith.index_cast %squeeze3A_94 : i32 to index
      %get3A_163 = arith.constant 0 : index
      %get3A_164 = vector.load %arg6[%get3A_161, %get3A_162, %get3A_163] : memref<16x132x128xf32, #tpu.memory_space<vmem>>, vector<1x1x128xf32>
      %get3A_165 = vector.shape_cast %get3A_164 : vector<1x1x128xf32> to vector<1x128xf32>
      %get3A_166 = arith.constant 13 : index
      %get3A_167 = arith.index_cast %squeeze3A_96 : i32 to index
      %get3A_168 = arith.constant 0 : index
      %get3A_169 = vector.load %arg6[%get3A_166, %get3A_167, %get3A_168] : memref<16x132x128xf32, #tpu.memory_space<vmem>>, vector<1x1x128xf32>
      %get3A_170 = vector.shape_cast %get3A_169 : vector<1x1x128xf32> to vector<1x128xf32>
      %get3A_171 = arith.constant 14 : index
      %get3A_172 = arith.index_cast %squeeze3A_98 : i32 to index
      %get3A_173 = arith.constant 0 : index
      %get3A_174 = vector.load %arg6[%get3A_171, %get3A_172, %get3A_173] : memref<16x132x128xf32, #tpu.memory_space<vmem>>, vector<1x1x128xf32>
      %get3A_175 = vector.shape_cast %get3A_174 : vector<1x1x128xf32> to vector<1x128xf32>
      %get3A_176 = arith.constant 15 : index
      %get3A_177 = arith.index_cast %squeeze3A_100 : i32 to index
      %get3A_178 = arith.constant 0 : index
      %get3A_179 = vector.load %arg6[%get3A_176, %get3A_177, %get3A_178] : memref<16x132x128xf32, #tpu.memory_space<vmem>>, vector<1x1x128xf32>
      %get3A_180 = vector.shape_cast %get3A_179 : vector<1x1x128xf32> to vector<1x128xf32>
      %concatenate3A = tpu.concatenate %get3A_105, %get3A_110, %get3A_115, %get3A_120, %get3A_125, %get3A_130, %get3A_135, %get3A_140, %get3A_145, %get3A_150, %get3A_155, %get3A_160, %get3A_165, %get3A_170, %get3A_175, %get3A_180 in 0 : vector<1x128xf32>, vector<1x128xf32>, vector<1x128xf32>, vector<1x128xf32>, vector<1x128xf32>, vector<1x128xf32>, vector<1x128xf32>, vector<1x128xf32>, vector<1x128xf32>, vector<1x128xf32>, vector<1x128xf32>, vector<1x128xf32>, vector<1x128xf32>, vector<1x128xf32>, vector<1x128xf32>, vector<1x128xf32> -> vector<16x128xf32>
      %eq3A_181 = vector.broadcast %broadcast_in_dim3A_64 : vector<16x1xf32> to vector<16x128xf32>
      %eq3A_182 = arith.cmpf oeq, %concatenate3A, %eq3A_181 : vector<16x128xf32>
      %jit3A_183 = arith.constant 100000 : i32
      %broadcast_in_dim3A_184 = vector.broadcast %jit3A_183 : i32 to vector<16x128xi32>
      %select_n3A_185 = arith.select %eq3A_182, %iota3A_22, %broadcast_in_dim3A_184 : vector<16x128xi1>, vector<16x128xi32>
      %reduce_min3A_186 = arith.constant dense<2147483647> : vector<16xi32>
      %reduce_min3A_187 = vector.multi_reduction <minsi>, %select_n3A_185, %reduce_min3A_186 [1] : vector<16x128xi32> to vector<16xi32>
      %broadcast_in_dim3A_188 = vector.shape_cast %reduce_min3A_187 : vector<16xi32> to vector<16x1xi32>
      %eq3A_189 = vector.broadcast %scan3A_58 : i32 to vector<16x128xi32>
      %eq3A_190 = arith.cmpi eq, %iota3A_22, %eq3A_189 : vector<16x128xi32>
      %broadcast_in_dim3A_191 = vector.shape_cast %broadcast_in_dim3A_64 : vector<16x1xf32> to vector<16x1xf32>
      %broadcast_in_dim3A_192 = vector.broadcast %broadcast_in_dim3A_191 : vector<16x1xf32> to vector<16x128xf32>
      %select_n3A_193 = arith.select %eq3A_190, %broadcast_in_dim3A_192, %scan3A_60 : vector<16x128xi1>, vector<16x128xf32>
      %eq3A_194 = vector.broadcast %scan3A_58 : i32 to vector<16x128xi32>
      %eq3A_195 = arith.cmpi eq, %iota3A_22, %eq3A_194 : vector<16x128xi32>
      %mul3A = arith.constant 128 : i32
      %mul3A_196 = vector.broadcast %mul3A : i32 to vector<16x1xi32>
      %mul3A_197 = arith.muli %broadcast_in_dim3A_70, %mul3A_196 : vector<16x1xi32>
      %add3A_198 = arith.addi %mul3A_197, %broadcast_in_dim3A_188 : vector<16x1xi32>
      %broadcast_in_dim3A_199 = vector.shape_cast %add3A_198 : vector<16x1xi32> to vector<16x1xi32>
      %broadcast_in_dim3A_200 = vector.broadcast %broadcast_in_dim3A_199 : vector<16x1xi32> to vector<16x128xi32>
      %select_n3A_201 = arith.select %eq3A_195, %broadcast_in_dim3A_200, %scan3A_61 : vector<16x128xi1>, vector<16x128xi32>
      %eq3A_202 = vector.broadcast %broadcast_in_dim3A_188 : vector<16x1xi32> to vector<16x128xi32>
      %eq3A_203 = arith.cmpi eq, %iota3A_22, %eq3A_202 : vector<16x128xi32>
      %jit3A_204 = arith.constant 0xFF800000 : f32
      %broadcast_in_dim3A_205 = vector.broadcast %jit3A_204 : f32 to vector<16x128xf32>
      %select_n3A_206 = arith.select %eq3A_203, %broadcast_in_dim3A_205, %concatenate3A : vector<16x128xi1>, vector<16x128xf32>
      %slice3A_207 = vector.extract_strided_slice %select_n3A_206 {offsets = [0, 0], sizes = [1, 128], strides = [1, 1]} : vector<16x128xf32> to vector<1x128xf32>
      %swap3A_208 = arith.constant 0 : index
      %swap3A_209 = arith.index_cast %squeeze3A : i32 to index
      %swap3A_210 = arith.constant 0 : index
      %swap3A_211 = vector.load %arg6[%swap3A_208, %swap3A_209, %swap3A_210] : memref<16x132x128xf32, #tpu.memory_space<vmem>>, vector<1x1x128xf32>
      %swap3A_212 = vector.shape_cast %swap3A_211 : vector<1x1x128xf32> to vector<1x128xf32>
      %swap3A_213 = vector.shape_cast %slice3A_207 : vector<1x128xf32> to vector<1x1x128xf32>
      tpu.vector_store %arg6[%swap3A_208, %swap3A_209, %swap3A_210], %swap3A_213 {strides = array<i32>} : memref<16x132x128xf32, #tpu.memory_space<vmem>>, vector<1x1x128xf32>,
      %slice3A_214 = vector.extract_strided_slice %select_n3A_206 {offsets = [1, 0], sizes = [1, 128], strides = [1, 1]} : vector<16x128xf32> to vector<1x128xf32>
      %swap3A_215 = arith.constant 1 : index
      %swap3A_216 = arith.index_cast %squeeze3A_72 : i32 to index
      %swap3A_217 = arith.constant 0 : index
      %swap3A_218 = vector.load %arg6[%swap3A_215, %swap3A_216, %swap3A_217] : memref<16x132x128xf32, #tpu.memory_space<vmem>>, vector<1x1x128xf32>
      %swap3A_219 = vector.shape_cast %swap3A_218 : vector<1x1x128xf32> to vector<1x128xf32>
      %swap3A_220 = vector.shape_cast %slice3A_214 : vector<1x128xf32> to vector<1x1x128xf32>
      tpu.vector_store %arg6[%swap3A_215, %swap3A_216, %swap3A_217], %swap3A_220 {strides = array<i32>} : memref<16x132x128xf32, #tpu.memory_space<vmem>>, vector<1x1x128xf32>,
      %slice3A_221 = vector.extract_strided_slice %select_n3A_206 {offsets = [2, 0], sizes = [1, 128], strides = [1, 1]} : vector<16x128xf32> to vector<1x128xf32>
      %swap3A_222 = arith.constant 2 : index
      %swap3A_223 = arith.index_cast %squeeze3A_74 : i32 to index
      %swap3A_224 = arith.constant 0 : index
      %swap3A_225 = vector.load %arg6[%swap3A_222, %swap3A_223, %swap3A_224] : memref<16x132x128xf32, #tpu.memory_space<vmem>>, vector<1x1x128xf32>
      %swap3A_226 = vector.shape_cast %swap3A_225 : vector<1x1x128xf32> to vector<1x128xf32>
      %swap3A_227 = vector.shape_cast %slice3A_221 : vector<1x128xf32> to vector<1x1x128xf32>
      tpu.vector_store %arg6[%swap3A_222, %swap3A_223, %swap3A_224], %swap3A_227 {strides = array<i32>} : memref<16x132x128xf32, #tpu.memory_space<vmem>>, vector<1x1x128xf32>,
      %slice3A_228 = vector.extract_strided_slice %select_n3A_206 {offsets = [3, 0], sizes = [1, 128], strides = [1, 1]} : vector<16x128xf32> to vector<1x128xf32>
      %swap3A_229 = arith.constant 3 : index
      %swap3A_230 = arith.index_cast %squeeze3A_76 : i32 to index
      %swap3A_231 = arith.constant 0 : index
      %swap3A_232 = vector.load %arg6[%swap3A_229, %swap3A_230, %swap3A_231] : memref<16x132x128xf32, #tpu.memory_space<vmem>>, vector<1x1x128xf32>
      %swap3A_233 = vector.shape_cast %swap3A_232 : vector<1x1x128xf32> to vector<1x128xf32>
      %swap3A_234 = vector.shape_cast %slice3A_228 : vector<1x128xf32> to vector<1x1x128xf32>
      tpu.vector_store %arg6[%swap3A_229, %swap3A_230, %swap3A_231], %swap3A_234 {strides = array<i32>} : memref<16x132x128xf32, #tpu.memory_space<vmem>>, vector<1x1x128xf32>,
      %slice3A_235 = vector.extract_strided_slice %select_n3A_206 {offsets = [4, 0], sizes = [1, 128], strides = [1, 1]} : vector<16x128xf32> to vector<1x128xf32>
      %swap3A_236 = arith.constant 4 : index
      %swap3A_237 = arith.index_cast %squeeze3A_78 : i32 to index
      %swap3A_238 = arith.constant 0 : index
      %swap3A_239 = vector.load %arg6[%swap3A_236, %swap3A_237, %swap3A_238] : memref<16x132x128xf32, #tpu.memory_space<vmem>>, vector<1x1x128xf32>
      %swap3A_240 = vector.shape_cast %swap3A_239 : vector<1x1x128xf32> to vector<1x128xf32>
      %swap3A_241 = vector.shape_cast %slice3A_235 : vector<1x128xf32> to vector<1x1x128xf32>
      tpu.vector_store %arg6[%swap3A_236, %swap3A_237, %swap3A_238], %swap3A_241 {strides = array<i32>} : memref<16x132x128xf32, #tpu.memory_space<vmem>>, vector<1x1x128xf32>,
      %slice3A_242 = vector.extract_strided_slice %select_n3A_206 {offsets = [5, 0], sizes = [1, 128], strides = [1, 1]} : vector<16x128xf32> to vector<1x128xf32>
      %swap3A_243 = arith.constant 5 : index
      %swap3A_244 = arith.index_cast %squeeze3A_80 : i32 to index
      %swap3A_245 = arith.constant 0 : index
      %swap3A_246 = vector.load %arg6[%swap3A_243, %swap3A_244, %swap3A_245] : memref<16x132x128xf32, #tpu.memory_space<vmem>>, vector<1x1x128xf32>
      %swap3A_247 = vector.shape_cast %swap3A_246 : vector<1x1x128xf32> to vector<1x128xf32>
      %swap3A_248 = vector.shape_cast %slice3A_242 : vector<1x128xf32> to vector<1x1x128xf32>
      tpu.vector_store %arg6[%swap3A_243, %swap3A_244, %swap3A_245], %swap3A_248 {strides = array<i32>} : memref<16x132x128xf32, #tpu.memory_space<vmem>>, vector<1x1x128xf32>,
      %slice3A_249 = vector.extract_strided_slice %select_n3A_206 {offsets = [6, 0], sizes = [1, 128], strides = [1, 1]} : vector<16x128xf32> to vector<1x128xf32>
      %swap3A_250 = arith.constant 6 : index
      %swap3A_251 = arith.index_cast %squeeze3A_82 : i32 to index
      %swap3A_252 = arith.constant 0 : index
      %swap3A_253 = vector.load %arg6[%swap3A_250, %swap3A_251, %swap3A_252] : memref<16x132x128xf32, #tpu.memory_space<vmem>>, vector<1x1x128xf32>
      %swap3A_254 = vector.shape_cast %swap3A_253 : vector<1x1x128xf32> to vector<1x128xf32>
      %swap3A_255 = vector.shape_cast %slice3A_249 : vector<1x128xf32> to vector<1x1x128xf32>
      tpu.vector_store %arg6[%swap3A_250, %swap3A_251, %swap3A_252], %swap3A_255 {strides = array<i32>} : memref<16x132x128xf32, #tpu.memory_space<vmem>>, vector<1x1x128xf32>,
      %slice3A_256 = vector.extract_strided_slice %select_n3A_206 {offsets = [7, 0], sizes = [1, 128], strides = [1, 1]} : vector<16x128xf32> to vector<1x128xf32>
      %swap3A_257 = arith.constant 7 : index
      %swap3A_258 = arith.index_cast %squeeze3A_84 : i32 to index
      %swap3A_259 = arith.constant 0 : index
      %swap3A_260 = vector.load %arg6[%swap3A_257, %swap3A_258, %swap3A_259] : memref<16x132x128xf32, #tpu.memory_space<vmem>>, vector<1x1x128xf32>
      %swap3A_261 = vector.shape_cast %swap3A_260 : vector<1x1x128xf32> to vector<1x128xf32>
      %swap3A_262 = vector.shape_cast %slice3A_256 : vector<1x128xf32> to vector<1x1x128xf32>
      tpu.vector_store %arg6[%swap3A_257, %swap3A_258, %swap3A_259], %swap3A_262 {strides = array<i32>} : memref<16x132x128xf32, #tpu.memory_space<vmem>>, vector<1x1x128xf32>,
      %slice3A_263 = vector.extract_strided_slice %select_n3A_206 {offsets = [8, 0], sizes = [1, 128], strides = [1, 1]} : vector<16x128xf32> to vector<1x128xf32>
      %swap3A_264 = arith.constant 8 : index
      %swap3A_265 = arith.index_cast %squeeze3A_86 : i32 to index
      %swap3A_266 = arith.constant 0 : index
      %swap3A_267 = vector.load %arg6[%swap3A_264, %swap3A_265, %swap3A_266] : memref<16x132x128xf32, #tpu.memory_space<vmem>>, vector<1x1x128xf32>
      %swap3A_268 = vector.shape_cast %swap3A_267 : vector<1x1x128xf32> to vector<1x128xf32>
      %swap3A_269 = vector.shape_cast %slice3A_263 : vector<1x128xf32> to vector<1x1x128xf32>
      tpu.vector_store %arg6[%swap3A_264, %swap3A_265, %swap3A_266], %swap3A_269 {strides = array<i32>} : memref<16x132x128xf32, #tpu.memory_space<vmem>>, vector<1x1x128xf32>,
      %slice3A_270 = vector.extract_strided_slice %select_n3A_206 {offsets = [9, 0], sizes = [1, 128], strides = [1, 1]} : vector<16x128xf32> to vector<1x128xf32>
      %swap3A_271 = arith.constant 9 : index
      %swap3A_272 = arith.index_cast %squeeze3A_88 : i32 to index
      %swap3A_273 = arith.constant 0 : index
      %swap3A_274 = vector.load %arg6[%swap3A_271, %swap3A_272, %swap3A_273] : memref<16x132x128xf32, #tpu.memory_space<vmem>>, vector<1x1x128xf32>
      %swap3A_275 = vector.shape_cast %swap3A_274 : vector<1x1x128xf32> to vector<1x128xf32>
      %swap3A_276 = vector.shape_cast %slice3A_270 : vector<1x128xf32> to vector<1x1x128xf32>
      tpu.vector_store %arg6[%swap3A_271, %swap3A_272, %swap3A_273], %swap3A_276 {strides = array<i32>} : memref<16x132x128xf32, #tpu.memory_space<vmem>>, vector<1x1x128xf32>,
      %slice3A_277 = vector.extract_strided_slice %select_n3A_206 {offsets = [10, 0], sizes = [1, 128], strides = [1, 1]} : vector<16x128xf32> to vector<1x128xf32>
      %swap3A_278 = arith.constant 10 : index
      %swap3A_279 = arith.index_cast %squeeze3A_90 : i32 to index
      %swap3A_280 = arith.constant 0 : index
      %swap3A_281 = vector.load %arg6[%swap3A_278, %swap3A_279, %swap3A_280] : memref<16x132x128xf32, #tpu.memory_space<vmem>>, vector<1x1x128xf32>
      %swap3A_282 = vector.shape_cast %swap3A_281 : vector<1x1x128xf32> to vector<1x128xf32>
      %swap3A_283 = vector.shape_cast %slice3A_277 : vector<1x128xf32> to vector<1x1x128xf32>
      tpu.vector_store %arg6[%swap3A_278, %swap3A_279, %swap3A_280], %swap3A_283 {strides = array<i32>} : memref<16x132x128xf32, #tpu.memory_space<vmem>>, vector<1x1x128xf32>,
      %slice3A_284 = vector.extract_strided_slice %select_n3A_206 {offsets = [11, 0], sizes = [1, 128], strides = [1, 1]} : vector<16x128xf32> to vector<1x128xf32>
      %swap3A_285 = arith.constant 11 : index
      %swap3A_286 = arith.index_cast %squeeze3A_92 : i32 to index
      %swap3A_287 = arith.constant 0 : index
      %swap3A_288 = vector.load %arg6[%swap3A_285, %swap3A_286, %swap3A_287] : memref<16x132x128xf32, #tpu.memory_space<vmem>>, vector<1x1x128xf32>
      %swap3A_289 = vector.shape_cast %swap3A_288 : vector<1x1x128xf32> to vector<1x128xf32>
      %swap3A_290 = vector.shape_cast %slice3A_284 : vector<1x128xf32> to vector<1x1x128xf32>
      tpu.vector_store %arg6[%swap3A_285, %swap3A_286, %swap3A_287], %swap3A_290 {strides = array<i32>} : memref<16x132x128xf32, #tpu.memory_space<vmem>>, vector<1x1x128xf32>,
      %slice3A_291 = vector.extract_strided_slice %select_n3A_206 {offsets = [12, 0], sizes = [1, 128], strides = [1, 1]} : vector<16x128xf32> to vector<1x128xf32>
      %swap3A_292 = arith.constant 12 : index
      %swap3A_293 = arith.index_cast %squeeze3A_94 : i32 to index
      %swap3A_294 = arith.constant 0 : index
      %swap3A_295 = vector.load %arg6[%swap3A_292, %swap3A_293, %swap3A_294] : memref<16x132x128xf32, #tpu.memory_space<vmem>>, vector<1x1x128xf32>
      %swap3A_296 = vector.shape_cast %swap3A_295 : vector<1x1x128xf32> to vector<1x128xf32>
      %swap3A_297 = vector.shape_cast %slice3A_291 : vector<1x128xf32> to vector<1x1x128xf32>
      tpu.vector_store %arg6[%swap3A_292, %swap3A_293, %swap3A_294], %swap3A_297 {strides = array<i32>} : memref<16x132x128xf32, #tpu.memory_space<vmem>>, vector<1x1x128xf32>,
      %slice3A_298 = vector.extract_strided_slice %select_n3A_206 {offsets = [13, 0], sizes = [1, 128], strides = [1, 1]} : vector<16x128xf32> to vector<1x128xf32>
      %swap3A_299 = arith.constant 13 : index
      %swap3A_300 = arith.index_cast %squeeze3A_96 : i32 to index
      %swap3A_301 = arith.constant 0 : index
      %swap3A_302 = vector.load %arg6[%swap3A_299, %swap3A_300, %swap3A_301] : memref<16x132x128xf32, #tpu.memory_space<vmem>>, vector<1x1x128xf32>
      %swap3A_303 = vector.shape_cast %swap3A_302 : vector<1x1x128xf32> to vector<1x128xf32>
      %swap3A_304 = vector.shape_cast %slice3A_298 : vector<1x128xf32> to vector<1x1x128xf32>
      tpu.vector_store %arg6[%swap3A_299, %swap3A_300, %swap3A_301], %swap3A_304 {strides = array<i32>} : memref<16x132x128xf32, #tpu.memory_space<vmem>>, vector<1x1x128xf32>,
      %slice3A_305 = vector.extract_strided_slice %select_n3A_206 {offsets = [14, 0], sizes = [1, 128], strides = [1, 1]} : vector<16x128xf32> to vector<1x128xf32>
      %swap3A_306 = arith.constant 14 : index
      %swap3A_307 = arith.index_cast %squeeze3A_98 : i32 to index
      %swap3A_308 = arith.constant 0 : index
      %swap3A_309 = vector.load %arg6[%swap3A_306, %swap3A_307, %swap3A_308] : memref<16x132x128xf32, #tpu.memory_space<vmem>>, vector<1x1x128xf32>
      %swap3A_310 = vector.shape_cast %swap3A_309 : vector<1x1x128xf32> to vector<1x128xf32>
      %swap3A_311 = vector.shape_cast %slice3A_305 : vector<1x128xf32> to vector<1x1x128xf32>
      tpu.vector_store %arg6[%swap3A_306, %swap3A_307, %swap3A_308], %swap3A_311 {strides = array<i32>} : memref<16x132x128xf32, #tpu.memory_space<vmem>>, vector<1x1x128xf32>,
      %slice3A_312 = vector.extract_strided_slice %select_n3A_206 {offsets = [15, 0], sizes = [1, 128], strides = [1, 1]} : vector<16x128xf32> to vector<1x128xf32>
      %swap3A_313 = arith.constant 15 : index
      %swap3A_314 = arith.index_cast %squeeze3A_100 : i32 to index
      %swap3A_315 = arith.constant 0 : index
      %swap3A_316 = vector.load %arg6[%swap3A_313, %swap3A_314, %swap3A_315] : memref<16x132x128xf32, #tpu.memory_space<vmem>>, vector<1x1x128xf32>
      %swap3A_317 = vector.shape_cast %swap3A_316 : vector<1x1x128xf32> to vector<1x128xf32>
      %swap3A_318 = vector.shape_cast %slice3A_312 : vector<1x128xf32> to vector<1x1x128xf32>
      tpu.vector_store %arg6[%swap3A_313, %swap3A_314, %swap3A_315], %swap3A_318 {strides = array<i32>} : memref<16x132x128xf32, #tpu.memory_space<vmem>>, vector<1x1x128xf32>,
      %reduce_max3A_319 = arith.constant dense<0xFF800000> : vector<16xf32>
      %reduce_max3A_320 = vector.multi_reduction <maximumf>, %select_n3A_206, %reduce_max3A_319 [1] : vector<16x128xf32> to vector<16xf32>
      %broadcast_in_dim3A_321 = vector.shape_cast %reduce_max3A_320 : vector<16xf32> to vector<16x1xf32>
      %eq3A_322 = vector.broadcast %broadcast_in_dim3A_70 : vector<16x1xi32> to vector<16x132xi32>
      %eq3A_323 = arith.cmpi eq, %iota3A, %eq3A_322 : vector<16x132xi32>
      %broadcast_in_dim3A_324 = vector.shape_cast %broadcast_in_dim3A_321 : vector<16x1xf32> to vector<16x1xf32>
      %broadcast_in_dim3A_325 = vector.broadcast %broadcast_in_dim3A_324 : vector<16x1xf32> to vector<16x132xf32>
      %select_n3A_326 = arith.select %eq3A_323, %broadcast_in_dim3A_325, %scan3A_59 : vector<16x132xi1>, vector<16x132xf32>
      scf.yield %select_n3A_326, %select_n3A_193, %select_n3A_201 : vector<16x132xf32>, vector<16x128xf32>, vector<16x128xi32>
    }
    %scan3A_35 = arith.constant 128 : i32
    %neg3A = arith.constant 0.000000e+00 : f32
    %neg3A_36 = vector.broadcast %neg3A : f32 to vector<16x128xf32>
    %neg3A_37 = arith.subf %neg3A_36, %scan3A_34#1 : vector<16x128xf32>
    %exp3A = math.exp %neg3A_37 : vector<16x128xf32>
    %add3A = arith.constant 1.000000e+00 : f32
    %add3A_38 = vector.broadcast %add3A : f32 to vector<16x128xf32>
    %add3A_39 = arith.addf %add3A_38, %exp3A : vector<16x128xf32>
    %div3A = arith.constant 1.000000e+00 : f32
    %div3A_40 = vector.broadcast %div3A : f32 to vector<16x128xf32>
    %div3A_41 = arith.divf %div3A_40, %add3A_39 : vector<16x128xf32>
    %swap3A_42 = arith.constant 0 : index
    %swap3A_43 = arith.constant 0 : index
    %swap3A_44 = vector.load %arg3[%swap3A_42, %swap3A_43] : memref<16x128xf32, #tpu.memory_space<vmem>>, vector<16x128xf32>
    tpu.vector_store %arg3[%swap3A_42, %swap3A_43], %div3A_41 {strides = array<i32>} : memref<16x128xf32, #tpu.memory_space<vmem>>, vector<16x128xf32>,
    %swap3A_45 = arith.constant 0 : index
    %swap3A_46 = arith.constant 0 : index
    %swap3A_47 = vector.load %arg4[%swap3A_45, %swap3A_46] : memref<16x128xi32, #tpu.memory_space<vmem>>, vector<16x128xi32>
    tpu.vector_store %arg4[%swap3A_45, %swap3A_46], %scan3A_34#2 {strides = array<i32>} : memref<16x128xi32, #tpu.memory_space<vmem>>, vector<16x128xi32>,
    %gt3A = arith.constant 5.000000e-01 : f32
    %gt3A_48 = vector.broadcast %gt3A : f32 to vector<16x128xf32>
    %gt3A_49 = arith.cmpf ogt, %div3A_41, %gt3A_48 : vector<16x128xf32>
    %jit3A = arith.constant 1 : i32
    %jit3A_50 = arith.constant 0 : i32
    %broadcast_in_dim3A_51 = vector.broadcast %jit3A : i32 to vector<16x128xi32>
    %broadcast_in_dim3A_52 = vector.broadcast %jit3A_50 : i32 to vector<16x128xi32>
    %select_n3A = arith.select %gt3A_49, %broadcast_in_dim3A_51, %broadcast_in_dim3A_52 : vector<16x128xi1>, vector<16x128xi32>
    %reduce_sum3A = arith.constant dense<0> : vector<16xi32>
    %reduce_sum3A_53 = vector.multi_reduction <add>, %select_n3A, %reduce_sum3A [1] : vector<16x128xi32> to vector<16xi32>
    %broadcast_in_dim3A_54 = vector.shape_cast %reduce_sum3A_53 : vector<16xi32> to vector<16x1xi32>
    %swap3A_55 = arith.constant 0 : index
    %swap3A_56 = arith.constant 0 : index
    %swap3A_57 = vector.load %arg5[%swap3A_55, %swap3A_56] : memref<16x1xi32, #tpu.memory_space<vmem>>, vector<16x1xi32>
    tpu.vector_store %arg5[%swap3A_55, %swap3A_56], %broadcast_in_dim3A_54 {strides = array<i32>} : memref<16x1xi32, #tpu.memory_space<vmem>>, vector<16x1xi32>,
    return
  }
}

</mosaic_0001>

<sc_bundles>
// kernel: gather_offload_async_start.1
scs
__scs_entry_jumppad:
0x0: {  	(pc) =	sbr.rel $0x88, $3  }
0x1: {  	(tag) =	ssettag $0x0;
	lr =	simm.s32 $0x1  }
0x2: {  	[smem:$0x3F98] =	sst lr;
	_ =	strace $0xD0000000  }
0x3: {  	_ = 	snop  }
0x4: {  	_ = 	snop  }
0x5: {  	_ = 	snop  }
0x6: {  	_ = 	snop  }
0x7: {  	_ = 	snop  }
__scs_overlays_trampoline_lowered:
0x8: {  	[smem:$0x3FA7] =	sst s0  }
0x9: {  	[smem:$0x3FA8] =	sst s1  }
0xa: {  	[smem:$0x3FA9] =	sst s2  }
0xb: {  	[smem:$0x3FAA] =	sst s3  }
0xc: {  	[smem:$0x3FAB] =	sst s4  }
0xd: {  	[smem:$0x3FAC] =	sst s5  }
0xe: {  	[smem:$0x3FAD] =	sst s6  }
0xf: {  	[smem:$0x3FAE] =	sst s7  }
0x10: {  	[smem:$0x3FAF] =	sst s8  }
0x11: {  	[smem:$0x3FB0] =	sst s9;
	s0 =	simm.s32 @!p0 $0x0  }
0x12: {  	s1 =	sld [smem:$0x3F96];
	s0 =	simm.s32 @p0 $0x1  }
0x13: {  	[smem:$0x3FB1] =	sst s0;
	s0 =	simm.s32 @!p1 $0x0  }
0x14: {  	s2 =	sld [smem:$0x3F95];
	s0 =	simm.s32 @p1 $0x1  }
0x15: {  	[smem:$0x3FB2] =	sst s0;
	s0 =	simm.s32 @!p2 $0x0  }
0x16: {  	s3 =	sld [smem:$0x3FDB];
	s0 =	simm.s32 @p2 $0x1  }
0x17: {  	s4 =	simm.s32 $0x1BF5;
	[smem:$0x3FB4] =	sst s0  }
0x18: {  	s0 =	sld [smem:$0x3F97];
	_ =	swait.ge [sflag:s4], $0x0  }
0x19: {  	s7 =	sld [smem:$0x3F98]  }
0x1a: {  	s8 =	sadd.s32 $0xFFFFE003, lr  }
0x1b: {  	s9 =	sadd.s32 $0xFFFFFEF7, lr;
	s5 =	simm.s32 $0xFFFFFFFF;
	p2 =	slt.u32 s8, $0xFFFFF086  }
0x1c: {  	p1 =	slt.u32 s9, $0xF7A;
	s5 =	simm.s32 @!p2 $0x0  }
0x1d: {  	s5 =	simm.s32 @p1 $0x1;
	p0 =	seq.s32 s7, s2  }
0x1e: {  	s7 =	smul.u32 @!p0 $0xF7A, s2;
	p2 =	seq.s32 @!p0 s5, $0x0  }
0x1f: {  	s9 =	smul.u32 $0xF7A, s1;
	s8 =	simm.s32 @!p0 $0x1BF5;
	p2 =	por !p2, p0  }
0x20: {  	[sflag:s8] =	ssyncset.s32 @!p0 $0xFFFFF086;
	s6 =	sadd.s32 @!p0 s3, s7;
	s7 =	simm.s32 @!p0 $0x108  }
0x21: {  	s3 =	sadd.s32 s3, s9;
	s6 =	sadd.s32 @!p0 $0x88, s6;
	s7 =	simm.s32 @p2 $0x1082  }
0x22: {  	[simem:s7], [sflag:s8] =	dma.local @!p0 [hbm:s6], $0xF7A  }
0x23: {  	s9 =	sor.u32 $0xD0000000, s2;
	s6 =	simm.s32 $0x108;
	_ =	swait.ge @!p0 [sflag:s8], $0x0  }
0x24: {  	s3 =	sadd.s32 $0x88, s3;
	s6 =	simm.s32 @!p1 $0x1082;
	[sflag:s4] =	ssyncset.s32 $0xFFFFF086  }
0x25: {  	[simem:s6], [sflag:s4] =	dma.local [hbm:s3], $0xF7A  }
0x26: {  	[smem:$0x3F98] =	sst s1;
	(tag) =	ssettag s2;
	_ =	strace s9  }
0x27: {  	s1 =	sld [smem:$0x3FA8]  }
0x28: {  	s2 =	sld [smem:$0x3FA9]  }
0x29: {  	s4 =	sld [smem:$0x3FAB]  }
0x2a: {  	p0 =	seq.s32 s5, $0x0;
	s5 =	sld [smem:$0x3FAC]  }
0x2b: {  	s6 =	sld [smem:$0x3FAD]  }
0x2c: {  	s7 =	sld [smem:$0x3FAE]  }
0x2d: {  	s3 =	simm.s32 $0x108;
	s8 =	sld [smem:$0x3FAF]  }
0x2e: {  	s3 =	simm.s32 @!p0 $0x1082;
	s9 =	sld [smem:$0x3FB0]  }
0x2f: {  	lr =	sadd.s32 s0, s3;
	s0 =	sld [smem:$0x3FA7]  }
0x30: {  	s3 =	sld [smem:$0x3FAA]  }
0x31: {  	[smem:$0x3FB3] =	sst s10  }
0x32: {  	s10 =	sld [smem:$0x3FB1];
	_ =	sdelay $0x3  }
0x33: {  	p0 =	seq.s32 s10, $0x1;
	s10 =	sld [smem:$0x3FB3];
	_ =	sdelay $0x3  }
0x34: {  	[smem:$0x3FB3] =	sst s10  }
0x35: {  	s10 =	sld [smem:$0x3FB2];
	_ =	sdelay $0x3  }
0x36: {  	p1 =	seq.s32 s10, $0x1;
	s10 =	sld [smem:$0x3FB3];
	_ =	sdelay $0x3  }
0x37: {  	[smem:$0x3FB3] =	sst s10  }
0x38: {  	s10 =	sld [smem:$0x3FB4]  }
0x39: {  	_ = 	snop;
	(pc) =	sbr.ind lr, $3  }
0x3a: {  	_ = 	snop  }
0x3b: {  	_ = 	snop  }
0x3c: {  	p2 =	seq.s32 s10, $0x1;
	s10 =	sld [smem:$0x3FB3]  }
0x3d: {  	_ =	shalt  }
0x3e: {  	_ =	shalt  }
0x3f: {  	_ =	shalt  }
0x40: {  	_ =	shalt  }
0x41: {  	_ =	shalt  }
0x42: {  	_ =	shalt  }
0x43: {  	_ =	shalt  }
0x44: {  	_ =	shalt  }
0x45: {  	_ =	shalt  }
0x46: {  	_ =	shalt  }
0x47: {  	_ =	shalt  }
0x48: {  	_ =	shalt  }
0x49: {  	_ =	shalt  }
0x4a: {  	_ =	shalt  }
0x4b: {  	_ =	shalt  }
0x4c: {  	_ =	shalt  }
0x4d: {  	_ =	shalt  }
0x4e: {  	_ =	shalt  }
0x4f: {  	_ =	shalt  }
0x50: {  	_ =	shalt  }
0x51: {  	_ =	shalt  }
0x52: {  	_ =	shalt  }
0x53: {  	_ =	shalt  }
0x54: {  	_ =	shalt  }
0x55: {  	_ =	shalt  }
0x56: {  	_ =	shalt  }
0x57: {  	_ =	shalt  }
0x58: {  	_ =	shalt  }
0x59: {  	_ =	shalt  }
0x5a: {  	_ =	shalt  }
0x5b: {  	_ =	shalt  }
0x5c: {  	_ =	shalt  }
0x5d: {  	_ =	shalt  }
0x5e: {  	_ =	shalt  }
0x5f: {  	_ =	shalt  }
0x60: {  	_ =	shalt  }
0x61: {  	_ =	shalt  }
0x62: {  	_ =	shalt  }
0x63: {  	_ =	shalt  }
0x64: {  	_ =	shalt  }
0x65: {  	_ =	shalt  }
0x66: {  	_ =	shalt  }
0x67: {  	_ =	shalt  }
0x68: {  	_ =	shalt  }
0x69: {  	_ =	shalt  }
0x6a: {  	_ =	shalt  }
0x6b: {  	_ =	shalt  }
0x6c: {  	_ =	shalt  }
0x6d: {  	_ =	shalt  }
0x6e: {  	_ =	shalt  }
0x6f: {  	_ =	shalt  }
0x70: {  	_ =	shalt  }
0x71: {  	_ =	shalt  }
0x72: {  	_ =	shalt  }
0x73: {  	_ =	shalt  }
0x74: {  	_ =	shalt  }
0x75: {  	_ =	shalt  }
0x76: {  	_ =	shalt  }
0x77: {  	_ =	shalt  }
0x78: {  	_ =	shalt  }
0x79: {  	_ =	shalt  }
0x7a: {  	_ =	shalt  }
0x7b: {  	_ =	shalt  }
0x7c: {  	_ =	shalt  }
0x7d: {  	_ =	shalt  }
0x7e: {  	_ =	shalt  }
0x7f: {  	_ =	shalt  }
0x80: {  	_ =	shalt  }
0x81: {  	_ =	shalt  }
0x82: {  	_ =	shalt  }
0x83: {  	_ =	shalt  }
0x84: {  	_ =	shalt  }
0x85: {  	_ =	shalt  }
0x86: {  	_ =	shalt  }
0x87: {  	_ =	shalt  }
.Lfunc_end0:
.L_simem_size_0:
called_computation.1_lowered:
.L_overlay_start_0:
0x88: {  	s2 =	sld [smem:$0x3FD9]  }
0x89: {  	s3 =	sld [smem:$0x3FFE];
	_ =	sdelay $0x1  }
0x8a: {  	s1 =	srdreg.scid  }
0x8b: {  	s0 =	sand.u32 $0x1, s1  }
0x8c: {  	s14 =	sshll.u32 s0, $0xA;
	s2 =	sadd.s32 s3, s2  }
0x8d: {  	s2 =	sadd.s32 s2, s14  }
0x8e: {  	[smem:$0x3FBF] =	sst s2  }
0x8f: {  	_ = 	snop  }
0x90: {  	s2 =	sld [smem:$0x3FD0];
	_ =	sdelay $0x2  }
0x91: {  	s15 =	simm.s32 $0xA;
	s4 =	simm.s32 $0x10  }
0x92: {  	[smem:s4], [sflag:s15] =	dma.local [hbm:s2], $0x1  }
0x93: {  	_ =	swait.eq [sflag:s15], $0x1  }
0x94: {  	[sflag:s15] =	ssyncset.done $0x0  }
0x95: {  	[sflag:s15] =	ssyncadd.s32 $0xFFFFFFFF  }
0x96: {  	s16 =	sld [smem:$0x13];
	(tm) =	ssettm $0x1  }
0x97: {  	s17 =	sld [smem:$0x3FFB];
	_ =	sdelay $0x3  }
0x98: {  	_ =	strace s17  }
0x99: {  	s3 =	sld [smem:$0x3FFC];
	_ =	sdelay $0x3  }
0x9a: {  	_ =	strace s3  }
0x9b: {  	s3 =	sld [smem:$0x3FFD];
	_ =	sdelay $0x3  }
0x9c: {  	_ =	strace s3  }
0x9d: {  	_ =	strace $0x8FFFFFFF  }
0x9e: {  	s18 =	sld [smem:$0x3FDB];
	_ =	sdelay $0x1  }
0x9f: {  	s19 =	simm.s32 $_scs_section_size  }
0xa0: {  	s5 =	simm.s32 $_size__tile_overlayer_lowered;
	s6 =	simm.s32 $_tile_overlayer_lowered  }
0xa1: {  	s22 =	simm.s32 $0x1BFF;
	s21 =	sshll.u32 s6, $0x1;
	s3 =	sadd.s32 s19, s18  }
0xa2: {  	s7 =	simm.s32 $0x0;
	s20 =	sshll.u32 s5, $0x1;
	s5 =	sadd.s32 s21, s3  }
0xa3: {  	[timem:s7], [sflag:s22] =	dma.local [hbm:s5], s20  }
0xa4: {  	_ =	swait.ge [sflag:s22], s20  }
0xa5: {  	s4 =	ssub.s32 $0x0, s20;
	[sflag:s22] =	ssyncset.done $0x0  }
0xa6: {  	[sflag:s22] =	ssyncadd.s32 s4;
	_ =	sdelay $0x1  }
0xa7: {  	s23 =	simm.s32 $0x1B8B  }
0xa8: {  	_ =	swait.ge [sflag:s23], $0x1  }
0xa9: {  	[sflag:s23] =	ssyncset.done $0x0  }
0xaa: {  	s25 =	simm.s32 $0x1B8E;
	s24 =	sld [smem:$0x3FFE];
	[sflag:s23] =	ssyncadd.s32 $0xFFFFFFFF  }
0xab: {  	s26 =	simm.s32 $execute0_lowered;
	[smem:$0x3FD2] =	sst s25  }
0xac: {  	s5 =	sshll.u32 s26, $0x1;
	_ =	strace $0x80000049;
	[dreg:$0x1] =	wrdreg $0xFFFFFFFF  }
0xad: {  	s28 =	simm.s32 $_size_execute0_lowered;
	s3 =	sadd.s32 s3, s5;
	[dreg:$0x0] =	wrdreg $0x0  }
0xae: {  	s5 =	sshll.u32 s28, $0x1;
	[dreg:$0x2] =	wrdreg s3  }
0xaf: {  	[dreg:$0x3] =	wrdreg s5  }
0xb0: {  	[dreg:$0x4] =	wrdreg $0xC0  }
0xb1: {  	_ =	task [dreg:s7], $0x5FFFF  }
0xb2: {  	[dreg:$0x1] =	wrdreg $0xFFFFFFFF  }
0xb3: {  	[dreg:$0x0] =	wrdreg $0x60  }
0xb4: {  	[dreg:$0x2] =	wrdreg s24  }
0xb5: {  	[dreg:$0x3] =	wrdreg s16  }
0xb6: {  	[dreg:$0x4] =	wrdreg $0x9  }
0xb7: {  	_ =	task.clear_ibuf [dreg:s7], $0x5FFFF;
	_ =	strace $0x90000049  }
0xb8: {  	s29 =	simm.s32 $0x9;
	_ =	strace $0x8000004B  }
0xb9: {  	_ =	swait.ge [sflag:s29], $0x1  }
0xba: {  	[sflag:s29] =	ssyncadd.s32 $0xFFFFFFFF  }
0xbb: {  	_ =	strace $0x9000004B  }
0xbc: {  	_ =	sfence  }
0xbd: {  	s30 =	sld [smem:$0x0];
	_ =	sdelay $0x2  }
0xbe: {  	s31 =	sshll.u32 s1, $0xD;
	s1 =	sshrl.u32 s1, $0x2  }
0xbf: {  	s3 =	sand.u32 $0x4000, s31;
	s1 =	sadd.s32 s1, s30  }
0xc0: {  	s0 =	sor.u32 s3, s0;
	s1 =	sshll.u32 s1, $0x11  }
0xc1: {  	s0 =	sor.u32 s1, s0  }
0xc2: {  	s0 =	sadd.s32 $0x8F2B, s0  }
0xc3: {  	[sflag:s0] =	ssyncadd.remote.s32 $0x1  }
0xc4: {  	_ =	sfence.sel $0xFFFF  }
0xc5: {  	[dreg:$0x0] =	wrdreg $0xFFFFFFFF;
	(pc) =	sbr.abs _section_cstart, $3  }
0xc6: {  	[dreg:$0x1] =	wrdreg $0xFFFFFFFF  }
0xc7: {  	_ =	task.clear_ibuf [dreg:s7], $0x2FFFF;
	_ =	strace $0x9FFFFFFF  }
0xc8: {  	(tm) =	ssettm $0x7FFFFFFF  }
0xc9: {  	_ =	shalt  }
tec
execute0_lowered:
.L_overlay_start_1:
0x0: {  	(tag) =	ssettag $0x1  }
0x1: {  	s7 =	rddreg [dreg:$0x0]  }
0x2: {  	s2 =	rddreg [dreg:$0x1]  }
0x3: {  	s0 =	rddreg [dreg:$0x2]  }
0x4: {  	s1 =	srdreg.scid;
	_ =	strace $0x8000004A;
	s4 =	simm.s32 $0x1  }
0x5: {  	s9 =	simm.s32 $0x3;
	s12 =	simm.s32 $0x0;
	s5 =	sshll.u32 s1, $0x4  }
.Ltmp0:
0x6: {  	s1 =	stileid.u32;
	s5 =	sand.u32 $0x10, s5;
	(pc) =	sbr.rel .LBB2_1-.Ltmp0, $4  }
0x7: {  	s10 =	simm.s32 $0x0;
	s3 =	sadd.s32 $0x73B200, s7;
	s6 =	sor.u32 s1, s5  }
0x8: {  	[sflag:s4] =	ssyncpa.u1 $0x0;
	s5 =	simm.s32 $0x2;
	s6 =	sshll.u32 s6, $0x6  }
0x9: {  	s7 =	sadd.s32 $0x1200, s7;
	[sflag:s5] =	ssyncpa.u1 $0x0;
	s8 =	sadd.s32 $0x40, s6  }
0xa: {  	vm0 =	vmmov $0xff;
	vm1 =	vcmask $0x3F20;
	[sflag:s9] =	ssyncpa.u1 $0x0;
	s9 =	simm.s32 $0x40;
	s11 =	smov.u32 s6  }
.LBB2_9:
0xb: {  	p0 =	seq.s32 s10, $0x2  }
.Ltmp1:
0xc: {  	_ = 	snop;
	(pc) =	sbr.rel @p0 .LBB2_11-.Ltmp1, $1  }
0xd: {  	_ =	sdelay $0x3  }
.LBB2_10:
0xe: {  	s12 =	sadd.s32 $0x40, s11  }
0xf: {  	s13 =	smov.u32 s6;
	p0 =	slt.s32 s12, s8  }
0x10: {  	s13 =	smov.u32 @p0 s12  }
0x11: {  	s10 =	sadd.s32 $0x1, s10;
	s12 =	smov.u32 s11;
	s11 =	smov.u32 s13  }
.LBB2_1:
0x12: {  	p0 =	sne.s32 s10, $0x0  }
.Ltmp2:
0x13: {  	_ = 	snop;
	(pc) =	sbr.rel @!p0 .LBB2_2-.Ltmp2, $1  }
0x14: {  	_ =	sdelay $0x3  }
0x15: {  	s13 =	sand.u32 $0x1, s10  }
0x16: {  	p0 =	seq.s32 s13, $0x0  }
.Ltmp3:
0x17: {  	_ = 	snop;
	(pc) =	sbr.rel @p0 .LBB2_9-.Ltmp3, $1  }
0x18: {  	_ =	sdelay $0x3  }
0x19: {  	_ =	swait.ge [sflag:s5], $0x40  }
0x1a: {  	[sflag:s5] =	ssyncset.done $0x0  }
0x1b: {  	s13 =	simm.s32 $0x0;
	[sflag:s5] =	ssyncadd.s32 $0xFFFFFFC0  }
0x1c: {  	v0 =	vld.msk [tilespmem:s13+$0x40 ss:$0x1], $0xffff;
	_ =	sdelay $0x4  }
0x1d: {  	v1 =	vand.u32 $0xF, v0;
	v2 =	vshll.u32 v0, $0x3  }
0x1e: {  	vm2 =	veq.s32 v0, $0x80000000;
	v0 =	vmul.u32 $0x20D000, v1;
	v1 =	vand.u32 $0x3FFF80, v2  }
0x1f: {  	v1 =	vsel vm2, $0xFFFFFF80, v1  }
0x20: {  	v0 =	vsel vm2, $0xFFDF3000, v0;
	v2 =	vand.u32 $0xFFFFFC00, v1  }
0x21: {  	v1 =	vand.u32 $0x380, v1;
	v0 =	vadd.s32 v0, v2  }
0x22: {  	v0 =	vor.u32 v1, v0  }
0x23: {  	v0 =	vshrl.u32 v0, $0x3;
	_ =	sdelay $0x3  }
0x24: {  	s13 =	simm.s32 $0x2080  }
0x25: {  	[tilespmem:s13], [sflag:$0x1] =	stream.indirect_vreg.gather [hbm:s3], $0x80, v0, vm0, $0x38;
	[tilespmem:$0x4080] =	vst v63  }
0x26: {  	s14 =	simm.s32 $0x2480;
	s31 =	simm.s32 $0x10  }
0x27: {  	[tilespmem:s14], [sflag:$0x1] =	stream.indirect_vreg.gather [hbm:s3], $0x80, v0, vm1, $0x38;
	[tilespmem:$0x4080] =	vst v63  }
0x28: {  	s14 =	simm.s32 $0x80;
	v0 =	vld.msk [tilespmem:s31+$0x40 ss:$0x1], $0xffff  }
.LBB2_5:
0x29: {  	p0 =	sne.s32 s14, $0xC0;
	_ =	sdelay $0x4  }
0x2a: {  	v1 =	vand.u32 $0xF, v0;
	v2 =	vshll.u32 v0, $0x3  }
0x2b: {  	vm2 =	veq.s32 v0, $0x80000000;
	v0 =	vmul.u32 $0x20D000, v1;
	v1 =	vand.u32 $0x3FFF80, v2  }
0x2c: {  	v1 =	vsel vm2, $0xFFFFFF80, v1  }
0x2d: {  	v0 =	vsel vm2, $0xFFDF3000, v0;
	v2 =	vand.u32 $0xFFFFFC00, v1  }
0x2e: {  	v1 =	vand.u32 $0x380, v1;
	v0 =	vadd.s32 v0, v2  }
0x2f: {  	v0 =	vor.u32 v1, v0  }
0x30: {  	v0 =	vshrl.u32 v0, $0x3;
	_ =	sdelay $0x3  }
.Ltmp4:
0x31: {  	s13 =	sadd.s32 $0x800, s13;
	(pc) =	sbr.rel @p0 .LBB2_5-.Ltmp4, $4  }
0x32: {  	[tilespmem:s13], [sflag:$0x1] =	stream.indirect_vreg.gather [hbm:s3], $0x80, v0, vm0, $0x38;
	[tilespmem:$0x4080] =	vst v63  }
0x33: {  	s15 =	sshra.s32 s14, $0x2;
	s16 =	sadd.s32 $0x400, s13  }
0x34: {  	[tilespmem:s16], [sflag:$0x1] =	stream.indirect_vreg.gather [hbm:s3], $0x80, v0, vm1, $0x38;
	[tilespmem:$0x4080] =	vst v63  }
0x35: {  	s14 =	sadd.s32 $0x40, s14;
	v0 =	vld.msk [tilespmem:s15+$0x40 ss:$0x1], $0xffff  }
0x36: {  	_ =	sdelay $0x3  }
0x37: {  	v1 =	vand.u32 $0xF, v0;
	v2 =	vshll.u32 v0, $0x3  }
0x38: {  	vm2 =	veq.s32 v0, $0x80000000;
	v61 =	vmul.u32 $0x20D000, v1;
	v62 =	vand.u32 $0x3FFF80, v2  }
0x39: {  	v1 =	vsel vm2, $0xFFFFFF80, v62  }
0x3a: {  	v0 =	vsel vm2, $0xFFDF3000, v61;
	v63 =	vand.u32 $0xFFFFFC00, v1  }
0x3b: {  	v1 =	vand.u32 $0x380, v1;
	v0 =	vadd.s32 v0, v63  }
0x3c: {  	v0 =	vor.u32 v1, v0  }
0x3d: {  	v0 =	vshrl.u32 v0, $0x3;
	_ =	sdelay $0x3  }
0x3e: {  	s13 =	sadd.s32 $0x800, s13  }
0x3f: {  	[tilespmem:s13], [sflag:$0x1] =	stream.indirect_vreg.gather [hbm:s3], $0x80, v0, vm0, $0x38;
	[tilespmem:$0x4080] =	vst v63  }
0x40: {  	s13 =	sadd.s32 $0x400, s13  }
0x41: {  	[tilespmem:s13], [sflag:$0x1] =	stream.indirect_vreg.gather [hbm:s3], $0x80, v0, vm1, $0x38;
	[tilespmem:$0x4080] =	vst v63  }
0x42: {  	s12 =	sshll.u32 s12, $0x4;
	s14 =	simm.s32 $0x80;
	_ =	swait.ge [sflag:s4], $0x2000  }
0x43: {  	s15 =	simm.s32 $0x2480;
	s12 =	sadd.s32 s12, s7;
	[sflag:s4] =	ssyncset.done $0x0  }
0x44: {  	s16 =	sadd.s32 $0x0, s12;
	s13 =	simm.s32 $0x2080;
	[sflag:s4] =	ssyncadd.s32 $0xFFFFE000  }
.LBB2_7:
0x45: {  	[hbm:s16] =	stream.linear.scatter [tilespmem:s13], [sflag:$0x3], $0x400, $0x38;
	[tilespmem:$0x4080] =	vst v63  }
0x46: {  	s16 =	smov.u32 s14;
	s13 =	smov.u32 s15;
	p0 =	sne.s32 s14, $0x380  }
.Ltmp5:
0x47: {  	s14 =	sadd.s32 $0x80, s14;
	(pc) =	sbr.rel @p0 .LBB2_7-.Ltmp5, $2  }
0x48: {  	_ =	sdelay $0x2  }
0x49: {  	s15 =	sadd.s32 $0x400, s15;
	s16 =	sadd.s32 s16, s12  }
.Ltmp6:
0x4a: {  	(pc) =	sbr.rel .LBB2_9-.Ltmp6, $2  }
0x4b: {  	_ =	sdelay $0x2  }
0x4c: {  	[hbm:s16] =	stream.linear.scatter [tilespmem:s13], [sflag:$0x3], $0x400, $0x38;
	[tilespmem:$0x4080] =	vst v63  }
.LBB2_2:
.Ltmp7:
0x4d: {  	(pc) =	sbr.rel .LBB2_10-.Ltmp7, $4  }
0x4e: {  	_ = 	snop  }
0x4f: {  	s12 =	sshrl.u32 s11, $0x3  }
0x50: {  	s13 =	sand.u32 $0x7, s11;
	s12 =	sadd.s32 s2, s12  }
0x51: {  	[tilespmem:s9], [sflag:$0x2] =	stream.linear.gather [hbm4b:s12+s13], $0x40, $0x38;
	[tilespmem:$0x4080] =	vst v63  }
.LBB2_11:
0x52: {  	s2 =	simm.s32 $0x3  }
0x53: {  	_ =	swait.ge [sflag:s2], $0x2000  }
0x54: {  	[sflag:s2] =	ssyncset.done $0x0  }
0x55: {  	[sflag:s2] =	ssyncadd.s32 $0xFFFFE000  }
0x56: {  	_ =	sfence.sel $0x180000  }
0x57: {  	s3 =	simm.s32 $0x2;
	[bflag:$0x0] =	sbarrier.arrive $0xFFFF  }
0x58: {  	[sflag:s3] =	ssyncpa.u1 $0x1  }
0x59: {  	s31 =	simm.s32 $0x1;
	[sflag:s2] =	ssyncpa.u1 $0x1  }
0x5a: {  	[sflag:s31] =	ssyncpa.u1 $0x1  }
0x5b: {  	p0 =	sne.s32 s1, $0x0;
	_ =	strace $0x9000004A  }
0x5c: {  	s0 =	sadd.s32 @!p0 $0x100000, s0;
	[bflag:$0x2] =	sbarrier.arrive $0xFFFF  }
0x5d: {  	[sflag:s0] =	ssyncadd.tile.s32 @!p0 $0x1;
	_ =	shalt  }
.Lfunc_end2:
_tile_overlayer_lowered:
.L_overlay_start_2:
0x5e: {  	(tag) =	ssettag $0x2  }
0x5f: {  	s0 =	rddreg [dreg:$0x0];
	s2 =	stileid.u32  }
0x60: {  	s1 =	rddreg [dreg:$0x1];
	p0 =	sne.s32 s2, $0x0  }
0x61: {  	s3 =	rddreg [dreg:$0x2];
	[bflag:$0x3] =	sbarrier.arrive $0xFFFF;
	s2 =	simm.s32 @!p0 $0x1C01  }
0x62: {  	[timem:s3], [sflag:s2] =	dma.local @!p0 [hbm:s0], s1  }
0x63: {  	s0 =	simm.s32 @!p0 $0x1  }
0x64: {  	_ =	swait.ge @!p0 [sflag:s0], s1  }
0x65: {  	s1 =	ssub.s32 @!p0 $0x0, s1;
	[sflag:s0] =	ssyncset.done @!p0 $0x0  }
0x66: {  	[sflag:s0] =	ssyncadd.s32 @!p0 s1  }
0x67: {  	[bflag:$0x3] =	sbarrier.arrive $0xFFFF  }
0x68: {  	_ =	shalt  }

// kernel: gather_offload_async_start
scs
__scs_entry_jumppad:
0x0: {  	(pc) =	sbr.rel $0x88, $3  }
0x1: {  	(tag) =	ssettag $0x0;
	lr =	simm.s32 $0x1  }
0x2: {  	[smem:$0x3F98] =	sst lr;
	_ =	strace $0xD0000000  }
0x3: {  	_ = 	snop  }
0x4: {  	_ = 	snop  }
0x5: {  	_ = 	snop  }
0x6: {  	_ = 	snop  }
0x7: {  	_ = 	snop  }
__scs_overlays_trampoline_lowered:
0x8: {  	[smem:$0x3FA7] =	sst s0  }
0x9: {  	[smem:$0x3FA8] =	sst s1  }
0xa: {  	[smem:$0x3FA9] =	sst s2  }
0xb: {  	[smem:$0x3FAA] =	sst s3  }
0xc: {  	[smem:$0x3FAB] =	sst s4  }
0xd: {  	[smem:$0x3FAC] =	sst s5  }
0xe: {  	[smem:$0x3FAD] =	sst s6  }
0xf: {  	[smem:$0x3FAE] =	sst s7  }
0x10: {  	[smem:$0x3FAF] =	sst s8  }
0x11: {  	[smem:$0x3FB0] =	sst s9;
	s0 =	simm.s32 @!p0 $0x0  }
0x12: {  	s1 =	sld [smem:$0x3F96];
	s0 =	simm.s32 @p0 $0x1  }
0x13: {  	[smem:$0x3FB1] =	sst s0;
	s0 =	simm.s32 @!p1 $0x0  }
0x14: {  	s2 =	sld [smem:$0x3F95];
	s0 =	simm.s32 @p1 $0x1  }
0x15: {  	[smem:$0x3FB2] =	sst s0;
	s0 =	simm.s32 @!p2 $0x0  }
0x16: {  	s3 =	sld [smem:$0x3FDB];
	s0 =	simm.s32 @p2 $0x1  }
0x17: {  	s4 =	simm.s32 $0x1BF5;
	[smem:$0x3FB4] =	sst s0  }
0x18: {  	s0 =	sld [smem:$0x3F97];
	_ =	swait.ge [sflag:s4], $0x0  }
0x19: {  	s7 =	sld [smem:$0x3F98]  }
0x1a: {  	s8 =	sadd.s32 $0xFFFFE003, lr  }
0x1b: {  	s9 =	sadd.s32 $0xFFFFFEF7, lr;
	s5 =	simm.s32 $0xFFFFFFFF;
	p2 =	slt.u32 s8, $0xFFFFF086  }
0x1c: {  	p1 =	slt.u32 s9, $0xF7A;
	s5 =	simm.s32 @!p2 $0x0  }
0x1d: {  	s5 =	simm.s32 @p1 $0x1;
	p0 =	seq.s32 s7, s2  }
0x1e: {  	s7 =	smul.u32 @!p0 $0xF7A, s2;
	p2 =	seq.s32 @!p0 s5, $0x0  }
0x1f: {  	s9 =	smul.u32 $0xF7A, s1;
	s8 =	simm.s32 @!p0 $0x1BF5;
	p2 =	por !p2, p0  }
0x20: {  	[sflag:s8] =	ssyncset.s32 @!p0 $0xFFFFF086;
	s6 =	sadd.s32 @!p0 s3, s7;
	s7 =	simm.s32 @!p0 $0x108  }
0x21: {  	s3 =	sadd.s32 s3, s9;
	s6 =	sadd.s32 @!p0 $0x88, s6;
	s7 =	simm.s32 @p2 $0x1082  }
0x22: {  	[simem:s7], [sflag:s8] =	dma.local @!p0 [hbm:s6], $0xF7A  }
0x23: {  	s9 =	sor.u32 $0xD0000000, s2;
	s6 =	simm.s32 $0x108;
	_ =	swait.ge @!p0 [sflag:s8], $0x0  }
0x24: {  	s3 =	sadd.s32 $0x88, s3;
	s6 =	simm.s32 @!p1 $0x1082;
	[sflag:s4] =	ssyncset.s32 $0xFFFFF086  }
0x25: {  	[simem:s6], [sflag:s4] =	dma.local [hbm:s3], $0xF7A  }
0x26: {  	[smem:$0x3F98] =	sst s1;
	(tag) =	ssettag s2;
	_ =	strace s9  }
0x27: {  	s1 =	sld [smem:$0x3FA8]  }
0x28: {  	s2 =	sld [smem:$0x3FA9]  }
0x29: {  	s4 =	sld [smem:$0x3FAB]  }
0x2a: {  	p0 =	seq.s32 s5, $0x0;
	s5 =	sld [smem:$0x3FAC]  }
0x2b: {  	s6 =	sld [smem:$0x3FAD]  }
0x2c: {  	s7 =	sld [smem:$0x3FAE]  }
0x2d: {  	s3 =	simm.s32 $0x108;
	s8 =	sld [smem:$0x3FAF]  }
0x2e: {  	s3 =	simm.s32 @!p0 $0x1082;
	s9 =	sld [smem:$0x3FB0]  }
0x2f: {  	lr =	sadd.s32 s0, s3;
	s0 =	sld [smem:$0x3FA7]  }
0x30: {  	s3 =	sld [smem:$0x3FAA]  }
0x31: {  	[smem:$0x3FB3] =	sst s10  }
0x32: {  	s10 =	sld [smem:$0x3FB1];
	_ =	sdelay $0x3  }
0x33: {  	p0 =	seq.s32 s10, $0x1;
	s10 =	sld [smem:$0x3FB3];
	_ =	sdelay $0x3  }
0x34: {  	[smem:$0x3FB3] =	sst s10  }
0x35: {  	s10 =	sld [smem:$0x3FB2];
	_ =	sdelay $0x3  }
0x36: {  	p1 =	seq.s32 s10, $0x1;
	s10 =	sld [smem:$0x3FB3];
	_ =	sdelay $0x3  }
0x37: {  	[smem:$0x3FB3] =	sst s10  }
0x38: {  	s10 =	sld [smem:$0x3FB4]  }
0x39: {  	_ = 	snop;
	(pc) =	sbr.ind lr, $3  }
0x3a: {  	_ = 	snop  }
0x3b: {  	_ = 	snop  }
0x3c: {  	p2 =	seq.s32 s10, $0x1;
	s10 =	sld [smem:$0x3FB3]  }
0x3d: {  	_ =	shalt  }
0x3e: {  	_ =	shalt  }
0x3f: {  	_ =	shalt  }
0x40: {  	_ =	shalt  }
0x41: {  	_ =	shalt  }
0x42: {  	_ =	shalt  }
0x43: {  	_ =	shalt  }
0x44: {  	_ =	shalt  }
0x45: {  	_ =	shalt  }
0x46: {  	_ =	shalt  }
0x47: {  	_ =	shalt  }
0x48: {  	_ =	shalt  }
0x49: {  	_ =	shalt  }
0x4a: {  	_ =	shalt  }
0x4b: {  	_ =	shalt  }
0x4c: {  	_ =	shalt  }
0x4d: {  	_ =	shalt  }
0x4e: {  	_ =	shalt  }
0x4f: {  	_ =	shalt  }
0x50: {  	_ =	shalt  }
0x51: {  	_ =	shalt  }
0x52: {  	_ =	shalt  }
0x53: {  	_ =	shalt  }
0x54: {  	_ =	shalt  }
0x55: {  	_ =	shalt  }
0x56: {  	_ =	shalt  }
0x57: {  	_ =	shalt  }
0x58: {  	_ =	shalt  }
0x59: {  	_ =	shalt  }
0x5a: {  	_ =	shalt  }
0x5b: {  	_ =	shalt  }
0x5c: {  	_ =	shalt  }
0x5d: {  	_ =	shalt  }
0x5e: {  	_ =	shalt  }
0x5f: {  	_ =	shalt  }
0x60: {  	_ =	shalt  }
0x61: {  	_ =	shalt  }
0x62: {  	_ =	shalt  }
0x63: {  	_ =	shalt  }
0x64: {  	_ =	shalt  }
0x65: {  	_ =	shalt  }
0x66: {  	_ =	shalt  }
0x67: {  	_ =	shalt  }
0x68: {  	_ =	shalt  }
0x69: {  	_ =	shalt  }
0x6a: {  	_ =	shalt  }
0x6b: {  	_ =	shalt  }
0x6c: {  	_ =	shalt  }
0x6d: {  	_ =	shalt  }
0x6e: {  	_ =	shalt  }
0x6f: {  	_ =	shalt  }
0x70: {  	_ =	shalt  }
0x71: {  	_ =	shalt  }
0x72: {  	_ =	shalt  }
0x73: {  	_ =	shalt  }
0x74: {  	_ =	shalt  }
0x75: {  	_ =	shalt  }
0x76: {  	_ =	shalt  }
0x77: {  	_ =	shalt  }
0x78: {  	_ =	shalt  }
0x79: {  	_ =	shalt  }
0x7a: {  	_ =	shalt  }
0x7b: {  	_ =	shalt  }
0x7c: {  	_ =	shalt  }
0x7d: {  	_ =	shalt  }
0x7e: {  	_ =	shalt  }
0x7f: {  	_ =	shalt  }
0x80: {  	_ =	shalt  }
0x81: {  	_ =	shalt  }
0x82: {  	_ =	shalt  }
0x83: {  	_ =	shalt  }
0x84: {  	_ =	shalt  }
0x85: {  	_ =	shalt  }
0x86: {  	_ =	shalt  }
0x87: {  	_ =	shalt  }
.Lfunc_end0:
.L_simem_size_0:
called_computation_lowered:
.L_overlay_start_0:
0x88: {  	s2 =	sld [smem:$0x3FD9]  }
0x89: {  	s3 =	sld [smem:$0x3FFE];
	_ =	sdelay $0x1  }
0x8a: {  	s1 =	srdreg.scid  }
0x8b: {  	s0 =	sand.u32 $0x1, s1  }
0x8c: {  	s14 =	sshll.u32 s0, $0xA;
	s2 =	sadd.s32 s3, s2  }
0x8d: {  	s2 =	sadd.s32 s2, s14  }
0x8e: {  	[smem:$0x3FBF] =	sst s2  }
0x8f: {  	_ = 	snop  }
0x90: {  	s2 =	sld [smem:$0x3FD0];
	_ =	sdelay $0x2  }
0x91: {  	s15 =	simm.s32 $0xA;
	s4 =	simm.s32 $0x10  }
0x92: {  	[smem:s4], [sflag:s15] =	dma.local [hbm:s2], $0x1  }
0x93: {  	_ =	swait.eq [sflag:s15], $0x1  }
0x94: {  	[sflag:s15] =	ssyncset.done $0x0  }
0x95: {  	[sflag:s15] =	ssyncadd.s32 $0xFFFFFFFF  }
0x96: {  	s16 =	sld [smem:$0x13];
	(tm) =	ssettm $0x1  }
0x97: {  	s17 =	sld [smem:$0x3FFB];
	_ =	sdelay $0x3  }
0x98: {  	_ =	strace s17  }
0x99: {  	s3 =	sld [smem:$0x3FFC];
	_ =	sdelay $0x3  }
0x9a: {  	_ =	strace s3  }
0x9b: {  	s3 =	sld [smem:$0x3FFD];
	_ =	sdelay $0x3  }
0x9c: {  	_ =	strace s3  }
0x9d: {  	_ =	strace $0x8FFFFFFF  }
0x9e: {  	s18 =	sld [smem:$0x3FDB];
	_ =	sdelay $0x1  }
0x9f: {  	s19 =	simm.s32 $_scs_section_size  }
0xa0: {  	s5 =	simm.s32 $_size__tile_overlayer_lowered;
	s6 =	simm.s32 $_tile_overlayer_lowered  }
0xa1: {  	s22 =	simm.s32 $0x1BFF;
	s21 =	sshll.u32 s6, $0x1;
	s3 =	sadd.s32 s19, s18  }
0xa2: {  	s7 =	simm.s32 $0x0;
	s20 =	sshll.u32 s5, $0x1;
	s5 =	sadd.s32 s21, s3  }
0xa3: {  	[timem:s7], [sflag:s22] =	dma.local [hbm:s5], s20  }
0xa4: {  	_ =	swait.ge [sflag:s22], s20  }
0xa5: {  	s4 =	ssub.s32 $0x0, s20;
	[sflag:s22] =	ssyncset.done $0x0  }
0xa6: {  	[sflag:s22] =	ssyncadd.s32 s4;
	_ =	sdelay $0x1  }
0xa7: {  	s23 =	simm.s32 $0x1B8B  }
0xa8: {  	_ =	swait.ge [sflag:s23], $0x1  }
0xa9: {  	[sflag:s23] =	ssyncset.done $0x0  }
0xaa: {  	s25 =	simm.s32 $0x1B8E;
	s24 =	sld [smem:$0x3FFE];
	[sflag:s23] =	ssyncadd.s32 $0xFFFFFFFF  }
0xab: {  	s26 =	simm.s32 $execute0_lowered;
	[smem:$0x3FD2] =	sst s25  }
0xac: {  	s5 =	sshll.u32 s26, $0x1;
	_ =	strace $0x80000046;
	[dreg:$0x1] =	wrdreg $0xFFFFFFFF  }
0xad: {  	s28 =	simm.s32 $_size_execute0_lowered;
	s3 =	sadd.s32 s3, s5;
	[dreg:$0x0] =	wrdreg $0x0  }
0xae: {  	s5 =	sshll.u32 s28, $0x1;
	[dreg:$0x2] =	wrdreg s3  }
0xaf: {  	[dreg:$0x3] =	wrdreg s5  }
0xb0: {  	[dreg:$0x4] =	wrdreg $0xC0  }
0xb1: {  	_ =	task [dreg:s7], $0x5FFFF  }
0xb2: {  	[dreg:$0x1] =	wrdreg $0xFFFFFFFF  }
0xb3: {  	[dreg:$0x0] =	wrdreg $0x60  }
0xb4: {  	[dreg:$0x2] =	wrdreg s24  }
0xb5: {  	[dreg:$0x3] =	wrdreg s16  }
0xb6: {  	[dreg:$0x4] =	wrdreg $0x9  }
0xb7: {  	_ =	task.clear_ibuf [dreg:s7], $0x5FFFF;
	_ =	strace $0x90000046  }
0xb8: {  	s29 =	simm.s32 $0x9;
	_ =	strace $0x80000048  }
0xb9: {  	_ =	swait.ge [sflag:s29], $0x1  }
0xba: {  	[sflag:s29] =	ssyncadd.s32 $0xFFFFFFFF  }
0xbb: {  	_ =	strace $0x90000048  }
0xbc: {  	_ =	sfence  }
0xbd: {  	s30 =	sld [smem:$0x0];
	_ =	sdelay $0x2  }
0xbe: {  	s31 =	sshll.u32 s1, $0xD;
	s1 =	sshrl.u32 s1, $0x2  }
0xbf: {  	s3 =	sand.u32 $0x4000, s31;
	s1 =	sadd.s32 s1, s30  }
0xc0: {  	s0 =	sor.u32 s3, s0;
	s1 =	sshll.u32 s1, $0x11  }
0xc1: {  	s0 =	sor.u32 s1, s0  }
0xc2: {  	s0 =	sadd.s32 $0x8F2B, s0  }
0xc3: {  	[sflag:s0] =	ssyncadd.remote.s32 $0x1  }
0xc4: {  	_ =	sfence.sel $0xFFFF  }
0xc5: {  	[dreg:$0x0] =	wrdreg $0xFFFFFFFF;
	(pc) =	sbr.abs _section_cstart, $3  }
0xc6: {  	[dreg:$0x1] =	wrdreg $0xFFFFFFFF  }
0xc7: {  	_ =	task.clear_ibuf [dreg:s7], $0x2FFFF;
	_ =	strace $0x9FFFFFFF  }
0xc8: {  	(tm) =	ssettm $0x7FFFFFFF  }
0xc9: {  	_ =	shalt  }
tec
execute0_lowered:
.L_overlay_start_1:
0x0: {  	(tag) =	ssettag $0x1  }
0x1: {  	s7 =	rddreg [dreg:$0x0]  }
0x2: {  	s2 =	rddreg [dreg:$0x1]  }
0x3: {  	s0 =	rddreg [dreg:$0x2]  }
0x4: {  	s1 =	srdreg.scid;
	_ =	strace $0x80000047;
	s4 =	simm.s32 $0x1  }
0x5: {  	s9 =	simm.s32 $0x3;
	s12 =	simm.s32 $0x0;
	s5 =	sshll.u32 s1, $0x4  }
.Ltmp0:
0x6: {  	s1 =	stileid.u32;
	s5 =	sand.u32 $0x10, s5;
	(pc) =	sbr.rel .LBB2_1-.Ltmp0, $4  }
0x7: {  	s10 =	simm.s32 $0x0;
	s3 =	sadd.s32 $0x321200, s7;
	s6 =	sor.u32 s1, s5  }
0x8: {  	[sflag:s4] =	ssyncpa.u1 $0x0;
	s5 =	simm.s32 $0x2;
	s6 =	sshll.u32 s6, $0x6  }
0x9: {  	s7 =	sadd.s32 $0x1200, s7;
	[sflag:s5] =	ssyncpa.u1 $0x0;
	s8 =	sadd.s32 $0x40, s6  }
0xa: {  	vm0 =	vmmov $0xff;
	vm1 =	vcmask $0x3F20;
	[sflag:s9] =	ssyncpa.u1 $0x0;
	s9 =	simm.s32 $0x40;
	s11 =	smov.u32 s6  }
.LBB2_9:
0xb: {  	p0 =	seq.s32 s10, $0x2  }
.Ltmp1:
0xc: {  	_ = 	snop;
	(pc) =	sbr.rel @p0 .LBB2_11-.Ltmp1, $1  }
0xd: {  	_ =	sdelay $0x3  }
.LBB2_10:
0xe: {  	s12 =	sadd.s32 $0x40, s11  }
0xf: {  	s13 =	smov.u32 s6;
	p0 =	slt.s32 s12, s8  }
0x10: {  	s13 =	smov.u32 @p0 s12  }
0x11: {  	s10 =	sadd.s32 $0x1, s10;
	s12 =	smov.u32 s11;
	s11 =	smov.u32 s13  }
.LBB2_1:
0x12: {  	p0 =	sne.s32 s10, $0x0  }
.Ltmp2:
0x13: {  	_ = 	snop;
	(pc) =	sbr.rel @!p0 .LBB2_2-.Ltmp2, $1  }
0x14: {  	_ =	sdelay $0x3  }
0x15: {  	s13 =	sand.u32 $0x1, s10  }
0x16: {  	p0 =	seq.s32 s13, $0x0  }
.Ltmp3:
0x17: {  	_ = 	snop;
	(pc) =	sbr.rel @p0 .LBB2_9-.Ltmp3, $1  }
0x18: {  	_ =	sdelay $0x3  }
0x19: {  	_ =	swait.ge [sflag:s5], $0x40  }
0x1a: {  	[sflag:s5] =	ssyncset.done $0x0  }
0x1b: {  	s13 =	simm.s32 $0x0;
	[sflag:s5] =	ssyncadd.s32 $0xFFFFFFC0  }
0x1c: {  	v0 =	vld.msk [tilespmem:s13+$0x40 ss:$0x1], $0xffff;
	_ =	sdelay $0x4  }
0x1d: {  	v1 =	vand.u32 $0xF, v0;
	v2 =	vshll.u32 v0, $0x3  }
0x1e: {  	vm2 =	veq.s32 v0, $0x80000000;
	v0 =	vmul.u32 $0x20D000, v1;
	v1 =	vand.u32 $0x3FFF80, v2  }
0x1f: {  	v1 =	vsel vm2, $0xFFFFFF80, v1  }
0x20: {  	v0 =	vsel vm2, $0xFFDF3000, v0;
	v2 =	vand.u32 $0xFFFFFC00, v1  }
0x21: {  	v1 =	vand.u32 $0x380, v1;
	v0 =	vadd.s32 v0, v2  }
0x22: {  	v0 =	vor.u32 v1, v0  }
0x23: {  	v0 =	vshrl.u32 v0, $0x3;
	_ =	sdelay $0x3  }
0x24: {  	s13 =	simm.s32 $0x2080  }
0x25: {  	[tilespmem:s13], [sflag:$0x1] =	stream.indirect_vreg.gather [hbm:s3], $0x80, v0, vm0, $0x38;
	[tilespmem:$0x4080] =	vst v63  }
0x26: {  	s14 =	simm.s32 $0x2480;
	s31 =	simm.s32 $0x10  }
0x27: {  	[tilespmem:s14], [sflag:$0x1] =	stream.indirect_vreg.gather [hbm:s3], $0x80, v0, vm1, $0x38;
	[tilespmem:$0x4080] =	vst v63  }
0x28: {  	s14 =	simm.s32 $0x80;
	v0 =	vld.msk [tilespmem:s31+$0x40 ss:$0x1], $0xffff  }
.LBB2_5:
0x29: {  	p0 =	sne.s32 s14, $0xC0;
	_ =	sdelay $0x4  }
0x2a: {  	v1 =	vand.u32 $0xF, v0;
	v2 =	vshll.u32 v0, $0x3  }
0x2b: {  	vm2 =	veq.s32 v0, $0x80000000;
	v0 =	vmul.u32 $0x20D000, v1;
	v1 =	vand.u32 $0x3FFF80, v2  }
0x2c: {  	v1 =	vsel vm2, $0xFFFFFF80, v1  }
0x2d: {  	v0 =	vsel vm2, $0xFFDF3000, v0;
	v2 =	vand.u32 $0xFFFFFC00, v1  }
0x2e: {  	v1 =	vand.u32 $0x380, v1;
	v0 =	vadd.s32 v0, v2  }
0x2f: {  	v0 =	vor.u32 v1, v0  }
0x30: {  	v0 =	vshrl.u32 v0, $0x3;
	_ =	sdelay $0x3  }
.Ltmp4:
0x31: {  	s13 =	sadd.s32 $0x800, s13;
	(pc) =	sbr.rel @p0 .LBB2_5-.Ltmp4, $4  }
0x32: {  	[tilespmem:s13], [sflag:$0x1] =	stream.indirect_vreg.gather [hbm:s3], $0x80, v0, vm0, $0x38;
	[tilespmem:$0x4080] =	vst v63  }
0x33: {  	s15 =	sshra.s32 s14, $0x2;
	s16 =	sadd.s32 $0x400, s13  }
0x34: {  	[tilespmem:s16], [sflag:$0x1] =	stream.indirect_vreg.gather [hbm:s3], $0x80, v0, vm1, $0x38;
	[tilespmem:$0x4080] =	vst v63  }
0x35: {  	s14 =	sadd.s32 $0x40, s14;
	v0 =	vld.msk [tilespmem:s15+$0x40 ss:$0x1], $0xffff  }
0x36: {  	_ =	sdelay $0x3  }
0x37: {  	v1 =	vand.u32 $0xF, v0;
	v2 =	vshll.u32 v0, $0x3  }
0x38: {  	vm2 =	veq.s32 v0, $0x80000000;
	v61 =	vmul.u32 $0x20D000, v1;
	v62 =	vand.u32 $0x3FFF80, v2  }
0x39: {  	v1 =	vsel vm2, $0xFFFFFF80, v62  }
0x3a: {  	v0 =	vsel vm2, $0xFFDF3000, v61;
	v63 =	vand.u32 $0xFFFFFC00, v1  }
0x3b: {  	v1 =	vand.u32 $0x380, v1;
	v0 =	vadd.s32 v0, v63  }
0x3c: {  	v0 =	vor.u32 v1, v0  }
0x3d: {  	v0 =	vshrl.u32 v0, $0x3;
	_ =	sdelay $0x3  }
0x3e: {  	s13 =	sadd.s32 $0x800, s13  }
0x3f: {  	[tilespmem:s13], [sflag:$0x1] =	stream.indirect_vreg.gather [hbm:s3], $0x80, v0, vm0, $0x38;
	[tilespmem:$0x4080] =	vst v63  }
0x40: {  	s13 =	sadd.s32 $0x400, s13  }
0x41: {  	[tilespmem:s13], [sflag:$0x1] =	stream.indirect_vreg.gather [hbm:s3], $0x80, v0, vm1, $0x38;
	[tilespmem:$0x4080] =	vst v63  }
0x42: {  	s12 =	sshll.u32 s12, $0x4;
	s14 =	simm.s32 $0x80;
	_ =	swait.ge [sflag:s4], $0x2000  }
0x43: {  	s15 =	simm.s32 $0x2480;
	s12 =	sadd.s32 s12, s7;
	[sflag:s4] =	ssyncset.done $0x0  }
0x44: {  	s16 =	sadd.s32 $0x0, s12;
	s13 =	simm.s32 $0x2080;
	[sflag:s4] =	ssyncadd.s32 $0xFFFFE000  }
.LBB2_7:
0x45: {  	[hbm:s16] =	stream.linear.scatter [tilespmem:s13], [sflag:$0x3], $0x400, $0x38;
	[tilespmem:$0x4080] =	vst v63  }
0x46: {  	s16 =	smov.u32 s14;
	s13 =	smov.u32 s15;
	p0 =	sne.s32 s14, $0x380  }
.Ltmp5:
0x47: {  	s14 =	sadd.s32 $0x80, s14;
	(pc) =	sbr.rel @p0 .LBB2_7-.Ltmp5, $2  }
0x48: {  	_ =	sdelay $0x2  }
0x49: {  	s15 =	sadd.s32 $0x400, s15;
	s16 =	sadd.s32 s16, s12  }
.Ltmp6:
0x4a: {  	(pc) =	sbr.rel .LBB2_9-.Ltmp6, $2  }
0x4b: {  	_ =	sdelay $0x2  }
0x4c: {  	[hbm:s16] =	stream.linear.scatter [tilespmem:s13], [sflag:$0x3], $0x400, $0x38;
	[tilespmem:$0x4080] =	vst v63  }
.LBB2_2:
.Ltmp7:
0x4d: {  	(pc) =	sbr.rel .LBB2_10-.Ltmp7, $4  }
0x4e: {  	_ = 	snop  }
0x4f: {  	s12 =	sshrl.u32 s11, $0x3  }
0x50: {  	s13 =	sand.u32 $0x7, s11;
	s12 =	sadd.s32 s2, s12  }
0x51: {  	[tilespmem:s9], [sflag:$0x2] =	stream.linear.gather [hbm4b:s12+s13], $0x40, $0x38;
	[tilespmem:$0x4080] =	vst v63  }
.LBB2_11:
0x52: {  	s2 =	simm.s32 $0x3  }
0x53: {  	_ =	swait.ge [sflag:s2], $0x2000  }
0x54: {  	[sflag:s2] =	ssyncset.done $0x0  }
0x55: {  	[sflag:s2] =	ssyncadd.s32 $0xFFFFE000  }
0x56: {  	_ =	sfence.sel $0x180000  }
0x57: {  	s3 =	simm.s32 $0x2;
	[bflag:$0x0] =	sbarrier.arrive $0xFFFF  }
0x58: {  	[sflag:s3] =	ssyncpa.u1 $0x1  }
0x59: {  	s31 =	simm.s32 $0x1;
	[sflag:s2] =	ssyncpa.u1 $0x1  }
0x5a: {  	[sflag:s31] =	ssyncpa.u1 $0x1  }
0x5b: {  	p0 =	sne.s32 s1, $0x0;
	_ =	strace $0x90000047  }
0x5c: {  	s0 =	sadd.s32 @!p0 $0x100000, s0;
	[bflag:$0x2] =	sbarrier.arrive $0xFFFF  }
0x5d: {  	[sflag:s0] =	ssyncadd.tile.s32 @!p0 $0x1;
	_ =	shalt  }
.Lfunc_end2:
_tile_overlayer_lowered:
.L_overlay_start_2:
0x5e: {  	(tag) =	ssettag $0x2  }
0x5f: {  	s0 =	rddreg [dreg:$0x0];
	s2 =	stileid.u32  }
0x60: {  	s1 =	rddreg [dreg:$0x1];
	p0 =	sne.s32 s2, $0x0  }
0x61: {  	s3 =	rddreg [dreg:$0x2];
	[bflag:$0x3] =	sbarrier.arrive $0xFFFF;
	s2 =	simm.s32 @!p0 $0x1C01  }
0x62: {  	[timem:s3], [sflag:s2] =	dma.local @!p0 [hbm:s0], s1  }
0x63: {  	s0 =	simm.s32 @!p0 $0x1  }
0x64: {  	_ =	swait.ge @!p0 [sflag:s0], s1  }
0x65: {  	s1 =	ssub.s32 @!p0 $0x0, s1;
	[sflag:s0] =	ssyncset.done @!p0 $0x0  }
0x66: {  	[sflag:s0] =	ssyncadd.s32 @!p0 s1  }
0x67: {  	[bflag:$0x3] =	sbarrier.arrive $0xFFFF  }
0x68: {  	_ =	shalt  }

</sc_bundles>
